<compile_context>
chip_gen: v7x
topology: tpu7x:2x2x1
jax: 0.10.2.dev20260603
libtpu: 0.0.44.dev20260713+nightly
codegen_flags: <defaults>
</compile_context>

<pallas_src>
import functools

import jax
import jax.numpy as jnp
from jax import lax
from jax.experimental import pallas as pl
from jax.experimental.pallas import tpu as pltpu
from jax.experimental.pallas import tpu_sc as plsc

NC = 2
NS = 16
NW = NC * NS
L = 16

B = 16384
BPW = B // NW
CH = 128
NCH = BPW // CH

_mesh = plsc.VectorSubcoreMesh(core_axis_name="c", subcore_axis_name="s")


@functools.partial(
    pl.kernel,
    mesh=_mesh,
    compiler_params=pltpu.CompilerParams(allow_input_fusion=[True, False]),
    out_type=jax.ShapeDtypeStruct((B,), jnp.float32),
    scratch_types=[
        pltpu.VMEM((BPW,), jnp.int32),
        pltpu.VMEM((NCH, CH), jnp.int32),
        pltpu.VMEM((NCH, CH), jnp.float32),
        [pltpu.SemaphoreType.DMA] * NCH,
        [pltpu.SemaphoreType.DMA] * NCH,
        pltpu.SemaphoreType.DMA,
    ],
)
def _lookup(packed_hbm, table_hbm, out_hbm, p_v, idx_v, val_v, sem_in, sem_t, sem_o):
    wid = lax.axis_index("s") * NC + lax.axis_index("c")
    base = wid * BPW
    in_copies = [
        pltpu.async_copy(
            packed_hbm.at[pl.ds(base + j * CH, CH)],
            p_v.at[pl.ds(j * CH, CH)],
            sem_in[j],
        )
        for j in range(NCH)
    ]
    tbl_copies = []
    out_copies = []
    for j in range(NCH):
        in_copies[j].wait()
        row = idx_v.at[j]
        for i in range(CH // L):
            p = p_v[pl.ds(j * CH + i * L, L)]
            row[pl.ds(i * L, L)] = (p >> 16) * 1000 + (p & 0xFFFF)
        tbl_copies.append(
            pltpu.async_copy(table_hbm.at[row], val_v.at[j], sem_t[j])
        )
    for j in range(NCH):
        tbl_copies[j].wait()
        out_copies.append(
            pltpu.async_copy(
                val_v.at[j], out_hbm.at[pl.ds(base + j * CH, CH)], sem_o
            )
        )
    for c in out_copies:
        c.wait()


def kernel(xs, param_vec):
    packed = (xs[:, 0] << 16) | xs[:, 1]
    return _lookup(packed, param_vec)

# --- scband reference (transcript-rebuilt; emitter-appended) ---
"""Pipeline reference for scband-basic-discete-potential-84954453115034 (READ-ONLY COPY).

The authoritative reference and input builder live on the scoring server;
editing this copy changes nothing except your own understanding.
"""

import jax, jax.numpy as jnp
import numpy as np

NVEC = (1000, 1000)
NUM_VALS = int(np.prod(NVEC))
NUM_SAMPLES = 16384


def setup_inputs(seed: int = 0) -> dict:
    key = jax.random.key(seed)
    k1, k2 = jax.random.split(key)
    xs = jax.random.randint(k1, (NUM_SAMPLES, len(NVEC)), 0, 1000, dtype=jnp.int32)
    param_vec = jax.random.normal(k2, (NUM_VALS,), dtype=jnp.float32)
    return {"xs": xs, "param_vec": param_vec}


def reference(xs, param_vec):
    # ravel_multi_index over nvec=(1000, 1000): row-major strides (1000, 1)
    flat_idx = xs[:, 0].astype(jnp.int32) * NVEC[1] + xs[:, 1].astype(jnp.int32)
    # embedding(xs, param_vec[:, None])[:, 0] == gather of scalar logits
    logits = jnp.take(param_vec, flat_idx, axis=0)
    return logits

if __name__ == "__main__":
    import jax
    _d = setup_inputs()
    print(jax.jit(kernel)(*tuple(_d.values())))

</pallas_src>

<mosaic_0001>
#map = affine_map<(d0, d1) -> (0)>
module attributes {stable_mosaic.version = 14 : i64} {
  func.func @_lookup(%arg0: i32, %arg1: i32, %arg2: memref<16384xi32, #tpu.memory_space<hbm>>, %arg3: memref<1000000xf32, #tpu.memory_space<hbm>>, %arg4: memref<16384xf32, #tpu.memory_space<hbm>>, %arg5: memref<512xi32, #tpu.memory_space<vmem>>, %arg6: memref<4x128xi32, #tpu.memory_space<vmem>>, %arg7: memref<4x128xf32, #tpu.memory_space<vmem>>, %arg8: memref<!tpu.dma_semaphore, #tpu.memory_space<semaphore_mem>>, %arg9: memref<!tpu.dma_semaphore, #tpu.memory_space<semaphore_mem>>, %arg10: memref<!tpu.dma_semaphore, #tpu.memory_space<semaphore_mem>>, %arg11: memref<!tpu.dma_semaphore, #tpu.memory_space<semaphore_mem>>, %arg12: memref<!tpu.dma_semaphore, #tpu.memory_space<semaphore_mem>>, %arg13: memref<!tpu.dma_semaphore, #tpu.memory_space<semaphore_mem>>, %arg14: memref<!tpu.dma_semaphore, #tpu.memory_space<semaphore_mem>>, %arg15: memref<!tpu.dma_semaphore, #tpu.memory_space<semaphore_mem>>, %arg16: memref<!tpu.dma_semaphore, #tpu.memory_space<semaphore_mem>>) attributes {dimension_semantics = [#tpu.dimension_semantics<core_parallel>, #tpu.dimension_semantics<subcore_parallel>], iteration_bounds = array<i64: 2, 16>, scalar_prefetch = 0 : i64, scratch_operands = 12 : i64, tpu.core_type = #tpu.core_type<sc_vector_subcore>, window_params = [{transform_indices = #map}, {transform_indices = #map}, {transform_indices = #map}]} {
    %mul3A = arith.constant 2 : i32
    %mul3A_0 = arith.muli %arg1, %mul3A : i32
    %add3A = arith.addi %mul3A_0, %arg0 : i32
    %mul3A_1 = arith.constant 512 : i32
    %mul3A_2 = arith.muli %add3A, %mul3A_1 : i32
    %add3A_3 = arith.constant 0 : i32
    %add3A_4 = arith.addi %mul3A_2, %add3A_3 : i32
    %dma_start3A = arith.constant 0 : i32
    %dma_start3A_5 = tpu.memref_slice %arg5[%dma_start3A] : memref<512xi32, #tpu.memory_space<vmem>> -> memref<128xi32, #tpu.memory_space<vmem>>
    %dma_start3A_6 = tpu.memref_slice %arg2[%add3A_4] : memref<16384xi32, #tpu.memory_space<hbm>> -> memref<128xi32, #tpu.memory_space<hbm>>
    %dma_start3A_7 = arith.constant 0 : i32
    %dma_start3A_8 = tpu.memref_slice %arg5[%dma_start3A_7] : memref<512xi32, #tpu.memory_space<vmem>> -> memref<128xi32, #tpu.memory_space<vmem>>
    %dma_start3A_9 = tpu.memref_slice %arg2[%add3A_4] : memref<16384xi32, #tpu.memory_space<hbm>> -> memref<128xi32, #tpu.memory_space<hbm>>
    tpu.enqueue_dma source(%dma_start3A_9 : memref<128xi32, #tpu.memory_space<hbm>>) target(%dma_start3A_8 : memref<128xi32, #tpu.memory_space<vmem>>) target_semaphore(%arg8 : memref<!tpu.dma_semaphore, #tpu.memory_space<semaphore_mem>>)
    %add3A_10 = arith.constant 128 : i32
    %add3A_11 = arith.addi %mul3A_2, %add3A_10 : i32
    %dma_start3A_12 = arith.constant 128 : i32
    %dma_start3A_13 = tpu.memref_slice %arg5[%dma_start3A_12] : memref<512xi32, #tpu.memory_space<vmem>> -> memref<128xi32, #tpu.memory_space<vmem>>
    %dma_start3A_14 = tpu.memref_slice %arg2[%add3A_11] : memref<16384xi32, #tpu.memory_space<hbm>> -> memref<128xi32, #tpu.memory_space<hbm>>
    %dma_start3A_15 = arith.constant 128 : i32
    %dma_start3A_16 = tpu.memref_slice %arg5[%dma_start3A_15] : memref<512xi32, #tpu.memory_space<vmem>> -> memref<128xi32, #tpu.memory_space<vmem>>
    %dma_start3A_17 = tpu.memref_slice %arg2[%add3A_11] : memref<16384xi32, #tpu.memory_space<hbm>> -> memref<128xi32, #tpu.memory_space<hbm>>
    tpu.enqueue_dma source(%dma_start3A_17 : memref<128xi32, #tpu.memory_space<hbm>>) target(%dma_start3A_16 : memref<128xi32, #tpu.memory_space<vmem>>) target_semaphore(%arg9 : memref<!tpu.dma_semaphore, #tpu.memory_space<semaphore_mem>>)
    %add3A_18 = arith.constant 256 : i32
    %add3A_19 = arith.addi %mul3A_2, %add3A_18 : i32
    %dma_start3A_20 = arith.constant 256 : i32
    %dma_start3A_21 = tpu.memref_slice %arg5[%dma_start3A_20] : memref<512xi32, #tpu.memory_space<vmem>> -> memref<128xi32, #tpu.memory_space<vmem>>
    %dma_start3A_22 = tpu.memref_slice %arg2[%add3A_19] : memref<16384xi32, #tpu.memory_space<hbm>> -> memref<128xi32, #tpu.memory_space<hbm>>
    %dma_start3A_23 = arith.constant 256 : i32
    %dma_start3A_24 = tpu.memref_slice %arg5[%dma_start3A_23] : memref<512xi32, #tpu.memory_space<vmem>> -> memref<128xi32, #tpu.memory_space<vmem>>
    %dma_start3A_25 = tpu.memref_slice %arg2[%add3A_19] : memref<16384xi32, #tpu.memory_space<hbm>> -> memref<128xi32, #tpu.memory_space<hbm>>
    tpu.enqueue_dma source(%dma_start3A_25 : memref<128xi32, #tpu.memory_space<hbm>>) target(%dma_start3A_24 : memref<128xi32, #tpu.memory_space<vmem>>) target_semaphore(%arg10 : memref<!tpu.dma_semaphore, #tpu.memory_space<semaphore_mem>>)
    %add3A_26 = arith.constant 384 : i32
    %add3A_27 = arith.addi %mul3A_2, %add3A_26 : i32
    %dma_start3A_28 = arith.constant 384 : i32
    %dma_start3A_29 = tpu.memref_slice %arg5[%dma_start3A_28] : memref<512xi32, #tpu.memory_space<vmem>> -> memref<128xi32, #tpu.memory_space<vmem>>
    %dma_start3A_30 = tpu.memref_slice %arg2[%add3A_27] : memref<16384xi32, #tpu.memory_space<hbm>> -> memref<128xi32, #tpu.memory_space<hbm>>
    %dma_start3A_31 = arith.constant 384 : i32
    %dma_start3A_32 = tpu.memref_slice %arg5[%dma_start3A_31] : memref<512xi32, #tpu.memory_space<vmem>> -> memref<128xi32, #tpu.memory_space<vmem>>
    %dma_start3A_33 = tpu.memref_slice %arg2[%add3A_27] : memref<16384xi32, #tpu.memory_space<hbm>> -> memref<128xi32, #tpu.memory_space<hbm>>
    tpu.enqueue_dma source(%dma_start3A_33 : memref<128xi32, #tpu.memory_space<hbm>>) target(%dma_start3A_32 : memref<128xi32, #tpu.memory_space<vmem>>) target_semaphore(%arg11 : memref<!tpu.dma_semaphore, #tpu.memory_space<semaphore_mem>>)
    %dma_wait3A = arith.constant 0 : i32
    %dma_wait3A_34 = tpu.memref_slice %arg5[%dma_wait3A] : memref<512xi32, #tpu.memory_space<vmem>> -> memref<128xi32, #tpu.memory_space<vmem>>
    %dma_wait3A_35 = tpu.memref_slice %arg2[%add3A_4] : memref<16384xi32, #tpu.memory_space<hbm>> -> memref<128xi32, #tpu.memory_space<hbm>>
    %dma_wait3A_36 = arith.constant 0 : i32
    %dma_wait3A_37 = tpu.memref_slice %arg5[%dma_wait3A_36] : memref<512xi32, #tpu.memory_space<vmem>> -> memref<128xi32, #tpu.memory_space<vmem>>
    %dma_wait3A_38 = tpu.memref_slice %arg2[%add3A_4] : memref<16384xi32, #tpu.memory_space<hbm>> -> memref<128xi32, #tpu.memory_space<hbm>>
    tpu.wait_dma2 semaphore(%arg8 : memref<!tpu.dma_semaphore, #tpu.memory_space<semaphore_mem>>) src(%dma_wait3A_38 : memref<128xi32, #tpu.memory_space<hbm>>) dst(%dma_wait3A_37 : memref<128xi32, #tpu.memory_space<vmem>>)
    %get3A = arith.constant 0 : index
    %get3A_39 = tpu.vector_load %arg5[%get3A] {strides = array<i32>} : memref<512xi32, #tpu.memory_space<vmem>>, vector<16xi32>,
    %get3A_40 = vector.shape_cast %get3A_39 : vector<16xi32> to vector<16xi32>
    %shift_right_arithmetic3A = arith.constant 16 : i32
    %shift_right_arithmetic3A_41 = vector.broadcast %shift_right_arithmetic3A : i32 to vector<16xi32>
    %shift_right_arithmetic3A_42 = arith.shrsi %get3A_40, %shift_right_arithmetic3A_41 : vector<16xi32>
    %mul3A_43 = arith.constant 1000 : i32
    %mul3A_44 = vector.broadcast %mul3A_43 : i32 to vector<16xi32>
    %mul3A_45 = arith.muli %shift_right_arithmetic3A_42, %mul3A_44 : vector<16xi32>
    %and3A = arith.constant 65535 : i32
    %and3A_46 = vector.broadcast %and3A : i32 to vector<16xi32>
    %and3A_47 = arith.andi %get3A_40, %and3A_46 : vector<16xi32>
    %add3A_48 = arith.addi %mul3A_45, %and3A_47 : vector<16xi32>
    %swap3A = arith.constant 0 : i32
    %swap3A_49 = arith.constant 0 : i32
    %swap3A_50 = tpu.memref_slice %arg6[%swap3A, %swap3A_49] : memref<4x128xi32, #tpu.memory_space<vmem>> -> memref<1x128xi32, #tpu.memory_space<vmem>>
    %swap3A_51 = tpu.memref_squeeze %swap3A_50 : memref<1x128xi32, #tpu.memory_space<vmem>> -> memref<128xi32, #tpu.memory_space<vmem>>
    %swap3A_52 = arith.constant 0 : index
    %swap3A_53 = tpu.vector_load %swap3A_51[%swap3A_52] {strides = array<i32>} : memref<128xi32, #tpu.memory_space<vmem>>, vector<16xi32>,
    %swap3A_54 = vector.shape_cast %swap3A_53 : vector<16xi32> to vector<16xi32>
    %swap3A_55 = vector.shape_cast %add3A_48 : vector<16xi32> to vector<16xi32>
    tpu.vector_store %swap3A_51[%swap3A_52], %swap3A_55 {strides = array<i32>} : memref<128xi32, #tpu.memory_space<vmem>>, vector<16xi32>,
    %get3A_56 = arith.constant 16 : index
    %get3A_57 = tpu.vector_load %arg5[%get3A_56] {strides = array<i32>} : memref<512xi32, #tpu.memory_space<vmem>>, vector<16xi32>,
    %get3A_58 = vector.shape_cast %get3A_57 : vector<16xi32> to vector<16xi32>
    %shift_right_arithmetic3A_59 = arith.constant 16 : i32
    %shift_right_arithmetic3A_60 = vector.broadcast %shift_right_arithmetic3A_59 : i32 to vector<16xi32>
    %shift_right_arithmetic3A_61 = arith.shrsi %get3A_58, %shift_right_arithmetic3A_60 : vector<16xi32>
    %mul3A_62 = arith.constant 1000 : i32
    %mul3A_63 = vector.broadcast %mul3A_62 : i32 to vector<16xi32>
    %mul3A_64 = arith.muli %shift_right_arithmetic3A_61, %mul3A_63 : vector<16xi32>
    %and3A_65 = arith.constant 65535 : i32
    %and3A_66 = vector.broadcast %and3A_65 : i32 to vector<16xi32>
    %and3A_67 = arith.andi %get3A_58, %and3A_66 : vector<16xi32>
    %add3A_68 = arith.addi %mul3A_64, %and3A_67 : vector<16xi32>
    %swap3A_69 = arith.constant 0 : i32
    %swap3A_70 = arith.constant 0 : i32
    %swap3A_71 = tpu.memref_slice %arg6[%swap3A_69, %swap3A_70] : memref<4x128xi32, #tpu.memory_space<vmem>> -> memref<1x128xi32, #tpu.memory_space<vmem>>
    %swap3A_72 = tpu.memref_squeeze %swap3A_71 : memref<1x128xi32, #tpu.memory_space<vmem>> -> memref<128xi32, #tpu.memory_space<vmem>>
    %swap3A_73 = arith.constant 16 : index
    %swap3A_74 = tpu.vector_load %swap3A_72[%swap3A_73] {strides = array<i32>} : memref<128xi32, #tpu.memory_space<vmem>>, vector<16xi32>,
    %swap3A_75 = vector.shape_cast %swap3A_74 : vector<16xi32> to vector<16xi32>
    %swap3A_76 = vector.shape_cast %add3A_68 : vector<16xi32> to vector<16xi32>
    tpu.vector_store %swap3A_72[%swap3A_73], %swap3A_76 {strides = array<i32>} : memref<128xi32, #tpu.memory_space<vmem>>, vector<16xi32>,
    %get3A_77 = arith.constant 32 : index
    %get3A_78 = tpu.vector_load %arg5[%get3A_77] {strides = array<i32>} : memref<512xi32, #tpu.memory_space<vmem>>, vector<16xi32>,
    %get3A_79 = vector.shape_cast %get3A_78 : vector<16xi32> to vector<16xi32>
    %shift_right_arithmetic3A_80 = arith.constant 16 : i32
    %shift_right_arithmetic3A_81 = vector.broadcast %shift_right_arithmetic3A_80 : i32 to vector<16xi32>
    %shift_right_arithmetic3A_82 = arith.shrsi %get3A_79, %shift_right_arithmetic3A_81 : vector<16xi32>
    %mul3A_83 = arith.constant 1000 : i32
    %mul3A_84 = vector.broadcast %mul3A_83 : i32 to vector<16xi32>
    %mul3A_85 = arith.muli %shift_right_arithmetic3A_82, %mul3A_84 : vector<16xi32>
    %and3A_86 = arith.constant 65535 : i32
    %and3A_87 = vector.broadcast %and3A_86 : i32 to vector<16xi32>
    %and3A_88 = arith.andi %get3A_79, %and3A_87 : vector<16xi32>
    %add3A_89 = arith.addi %mul3A_85, %and3A_88 : vector<16xi32>
    %swap3A_90 = arith.constant 0 : i32
    %swap3A_91 = arith.constant 0 : i32
    %swap3A_92 = tpu.memref_slice %arg6[%swap3A_90, %swap3A_91] : memref<4x128xi32, #tpu.memory_space<vmem>> -> memref<1x128xi32, #tpu.memory_space<vmem>>
    %swap3A_93 = tpu.memref_squeeze %swap3A_92 : memref<1x128xi32, #tpu.memory_space<vmem>> -> memref<128xi32, #tpu.memory_space<vmem>>
    %swap3A_94 = arith.constant 32 : index
    %swap3A_95 = tpu.vector_load %swap3A_93[%swap3A_94] {strides = array<i32>} : memref<128xi32, #tpu.memory_space<vmem>>, vector<16xi32>,
    %swap3A_96 = vector.shape_cast %swap3A_95 : vector<16xi32> to vector<16xi32>
    %swap3A_97 = vector.shape_cast %add3A_89 : vector<16xi32> to vector<16xi32>
    tpu.vector_store %swap3A_93[%swap3A_94], %swap3A_97 {strides = array<i32>} : memref<128xi32, #tpu.memory_space<vmem>>, vector<16xi32>,
    %get3A_98 = arith.constant 48 : index
    %get3A_99 = tpu.vector_load %arg5[%get3A_98] {strides = array<i32>} : memref<512xi32, #tpu.memory_space<vmem>>, vector<16xi32>,
    %get3A_100 = vector.shape_cast %get3A_99 : vector<16xi32> to vector<16xi32>
    %shift_right_arithmetic3A_101 = arith.constant 16 : i32
    %shift_right_arithmetic3A_102 = vector.broadcast %shift_right_arithmetic3A_101 : i32 to vector<16xi32>
    %shift_right_arithmetic3A_103 = arith.shrsi %get3A_100, %shift_right_arithmetic3A_102 : vector<16xi32>
    %mul3A_104 = arith.constant 1000 : i32
    %mul3A_105 = vector.broadcast %mul3A_104 : i32 to vector<16xi32>
    %mul3A_106 = arith.muli %shift_right_arithmetic3A_103, %mul3A_105 : vector<16xi32>
    %and3A_107 = arith.constant 65535 : i32
    %and3A_108 = vector.broadcast %and3A_107 : i32 to vector<16xi32>
    %and3A_109 = arith.andi %get3A_100, %and3A_108 : vector<16xi32>
    %add3A_110 = arith.addi %mul3A_106, %and3A_109 : vector<16xi32>
    %swap3A_111 = arith.constant 0 : i32
    %swap3A_112 = arith.constant 0 : i32
    %swap3A_113 = tpu.memref_slice %arg6[%swap3A_111, %swap3A_112] : memref<4x128xi32, #tpu.memory_space<vmem>> -> memref<1x128xi32, #tpu.memory_space<vmem>>
    %swap3A_114 = tpu.memref_squeeze %swap3A_113 : memref<1x128xi32, #tpu.memory_space<vmem>> -> memref<128xi32, #tpu.memory_space<vmem>>
    %swap3A_115 = arith.constant 48 : index
    %swap3A_116 = tpu.vector_load %swap3A_114[%swap3A_115] {strides = array<i32>} : memref<128xi32, #tpu.memory_space<vmem>>, vector<16xi32>,
    %swap3A_117 = vector.shape_cast %swap3A_116 : vector<16xi32> to vector<16xi32>
    %swap3A_118 = vector.shape_cast %add3A_110 : vector<16xi32> to vector<16xi32>
    tpu.vector_store %swap3A_114[%swap3A_115], %swap3A_118 {strides = array<i32>} : memref<128xi32, #tpu.memory_space<vmem>>, vector<16xi32>,
    %get3A_119 = arith.constant 64 : index
    %get3A_120 = tpu.vector_load %arg5[%get3A_119] {strides = array<i32>} : memref<512xi32, #tpu.memory_space<vmem>>, vector<16xi32>,
    %get3A_121 = vector.shape_cast %get3A_120 : vector<16xi32> to vector<16xi32>
    %shift_right_arithmetic3A_122 = arith.constant 16 : i32
    %shift_right_arithmetic3A_123 = vector.broadcast %shift_right_arithmetic3A_122 : i32 to vector<16xi32>
    %shift_right_arithmetic3A_124 = arith.shrsi %get3A_121, %shift_right_arithmetic3A_123 : vector<16xi32>
    %mul3A_125 = arith.constant 1000 : i32
    %mul3A_126 = vector.broadcast %mul3A_125 : i32 to vector<16xi32>
    %mul3A_127 = arith.muli %shift_right_arithmetic3A_124, %mul3A_126 : vector<16xi32>
    %and3A_128 = arith.constant 65535 : i32
    %and3A_129 = vector.broadcast %and3A_128 : i32 to vector<16xi32>
    %and3A_130 = arith.andi %get3A_121, %and3A_129 : vector<16xi32>
    %add3A_131 = arith.addi %mul3A_127, %and3A_130 : vector<16xi32>
    %swap3A_132 = arith.constant 0 : i32
    %swap3A_133 = arith.constant 0 : i32
    %swap3A_134 = tpu.memref_slice %arg6[%swap3A_132, %swap3A_133] : memref<4x128xi32, #tpu.memory_space<vmem>> -> memref<1x128xi32, #tpu.memory_space<vmem>>
    %swap3A_135 = tpu.memref_squeeze %swap3A_134 : memref<1x128xi32, #tpu.memory_space<vmem>> -> memref<128xi32, #tpu.memory_space<vmem>>
    %swap3A_136 = arith.constant 64 : index
    %swap3A_137 = tpu.vector_load %swap3A_135[%swap3A_136] {strides = array<i32>} : memref<128xi32, #tpu.memory_space<vmem>>, vector<16xi32>,
    %swap3A_138 = vector.shape_cast %swap3A_137 : vector<16xi32> to vector<16xi32>
    %swap3A_139 = vector.shape_cast %add3A_131 : vector<16xi32> to vector<16xi32>
    tpu.vector_store %swap3A_135[%swap3A_136], %swap3A_139 {strides = array<i32>} : memref<128xi32, #tpu.memory_space<vmem>>, vector<16xi32>,
    %get3A_140 = arith.constant 80 : index
    %get3A_141 = tpu.vector_load %arg5[%get3A_140] {strides = array<i32>} : memref<512xi32, #tpu.memory_space<vmem>>, vector<16xi32>,
    %get3A_142 = vector.shape_cast %get3A_141 : vector<16xi32> to vector<16xi32>
    %shift_right_arithmetic3A_143 = arith.constant 16 : i32
    %shift_right_arithmetic3A_144 = vector.broadcast %shift_right_arithmetic3A_143 : i32 to vector<16xi32>
    %shift_right_arithmetic3A_145 = arith.shrsi %get3A_142, %shift_right_arithmetic3A_144 : vector<16xi32>
    %mul3A_146 = arith.constant 1000 : i32
    %mul3A_147 = vector.broadcast %mul3A_146 : i32 to vector<16xi32>
    %mul3A_148 = arith.muli %shift_right_arithmetic3A_145, %mul3A_147 : vector<16xi32>
    %and3A_149 = arith.constant 65535 : i32
    %and3A_150 = vector.broadcast %and3A_149 : i32 to vector<16xi32>
    %and3A_151 = arith.andi %get3A_142, %and3A_150 : vector<16xi32>
    %add3A_152 = arith.addi %mul3A_148, %and3A_151 : vector<16xi32>
    %swap3A_153 = arith.constant 0 : i32
    %swap3A_154 = arith.constant 0 : i32
    %swap3A_155 = tpu.memref_slice %arg6[%swap3A_153, %swap3A_154] : memref<4x128xi32, #tpu.memory_space<vmem>> -> memref<1x128xi32, #tpu.memory_space<vmem>>
    %swap3A_156 = tpu.memref_squeeze %swap3A_155 : memref<1x128xi32, #tpu.memory_space<vmem>> -> memref<128xi32, #tpu.memory_space<vmem>>
    %swap3A_157 = arith.constant 80 : index
    %swap3A_158 = tpu.vector_load %swap3A_156[%swap3A_157] {strides = array<i32>} : memref<128xi32, #tpu.memory_space<vmem>>, vector<16xi32>,
    %swap3A_159 = vector.shape_cast %swap3A_158 : vector<16xi32> to vector<16xi32>
    %swap3A_160 = vector.shape_cast %add3A_152 : vector<16xi32> to vector<16xi32>
    tpu.vector_store %swap3A_156[%swap3A_157], %swap3A_160 {strides = array<i32>} : memref<128xi32, #tpu.memory_space<vmem>>, vector<16xi32>,
    %get3A_161 = arith.constant 96 : index
    %get3A_162 = tpu.vector_load %arg5[%get3A_161] {strides = array<i32>} : memref<512xi32, #tpu.memory_space<vmem>>, vector<16xi32>,
    %get3A_163 = vector.shape_cast %get3A_162 : vector<16xi32> to vector<16xi32>
    %shift_right_arithmetic3A_164 = arith.constant 16 : i32
    %shift_right_arithmetic3A_165 = vector.broadcast %shift_right_arithmetic3A_164 : i32 to vector<16xi32>
    %shift_right_arithmetic3A_166 = arith.shrsi %get3A_163, %shift_right_arithmetic3A_165 : vector<16xi32>
    %mul3A_167 = arith.constant 1000 : i32
    %mul3A_168 = vector.broadcast %mul3A_167 : i32 to vector<16xi32>
    %mul3A_169 = arith.muli %shift_right_arithmetic3A_166, %mul3A_168 : vector<16xi32>
    %and3A_170 = arith.constant 65535 : i32
    %and3A_171 = vector.broadcast %and3A_170 : i32 to vector<16xi32>
    %and3A_172 = arith.andi %get3A_163, %and3A_171 : vector<16xi32>
    %add3A_173 = arith.addi %mul3A_169, %and3A_172 : vector<16xi32>
    %swap3A_174 = arith.constant 0 : i32
    %swap3A_175 = arith.constant 0 : i32
    %swap3A_176 = tpu.memref_slice %arg6[%swap3A_174, %swap3A_175] : memref<4x128xi32, #tpu.memory_space<vmem>> -> memref<1x128xi32, #tpu.memory_space<vmem>>
    %swap3A_177 = tpu.memref_squeeze %swap3A_176 : memref<1x128xi32, #tpu.memory_space<vmem>> -> memref<128xi32, #tpu.memory_space<vmem>>
    %swap3A_178 = arith.constant 96 : index
    %swap3A_179 = tpu.vector_load %swap3A_177[%swap3A_178] {strides = array<i32>} : memref<128xi32, #tpu.memory_space<vmem>>, vector<16xi32>,
    %swap3A_180 = vector.shape_cast %swap3A_179 : vector<16xi32> to vector<16xi32>
    %swap3A_181 = vector.shape_cast %add3A_173 : vector<16xi32> to vector<16xi32>
    tpu.vector_store %swap3A_177[%swap3A_178], %swap3A_181 {strides = array<i32>} : memref<128xi32, #tpu.memory_space<vmem>>, vector<16xi32>,
    %get3A_182 = arith.constant 112 : index
    %get3A_183 = tpu.vector_load %arg5[%get3A_182] {strides = array<i32>} : memref<512xi32, #tpu.memory_space<vmem>>, vector<16xi32>,
    %get3A_184 = vector.shape_cast %get3A_183 : vector<16xi32> to vector<16xi32>
    %shift_right_arithmetic3A_185 = arith.constant 16 : i32
    %shift_right_arithmetic3A_186 = vector.broadcast %shift_right_arithmetic3A_185 : i32 to vector<16xi32>
    %shift_right_arithmetic3A_187 = arith.shrsi %get3A_184, %shift_right_arithmetic3A_186 : vector<16xi32>
    %mul3A_188 = arith.constant 1000 : i32
    %mul3A_189 = vector.broadcast %mul3A_188 : i32 to vector<16xi32>
    %mul3A_190 = arith.muli %shift_right_arithmetic3A_187, %mul3A_189 : vector<16xi32>
    %and3A_191 = arith.constant 65535 : i32
    %and3A_192 = vector.broadcast %and3A_191 : i32 to vector<16xi32>
    %and3A_193 = arith.andi %get3A_184, %and3A_192 : vector<16xi32>
    %add3A_194 = arith.addi %mul3A_190, %and3A_193 : vector<16xi32>
    %swap3A_195 = arith.constant 0 : i32
    %swap3A_196 = arith.constant 0 : i32
    %swap3A_197 = tpu.memref_slice %arg6[%swap3A_195, %swap3A_196] : memref<4x128xi32, #tpu.memory_space<vmem>> -> memref<1x128xi32, #tpu.memory_space<vmem>>
    %swap3A_198 = tpu.memref_squeeze %swap3A_197 : memref<1x128xi32, #tpu.memory_space<vmem>> -> memref<128xi32, #tpu.memory_space<vmem>>
    %swap3A_199 = arith.constant 112 : index
    %swap3A_200 = tpu.vector_load %swap3A_198[%swap3A_199] {strides = array<i32>} : memref<128xi32, #tpu.memory_space<vmem>>, vector<16xi32>,
    %swap3A_201 = vector.shape_cast %swap3A_200 : vector<16xi32> to vector<16xi32>
    %swap3A_202 = vector.shape_cast %add3A_194 : vector<16xi32> to vector<16xi32>
    tpu.vector_store %swap3A_198[%swap3A_199], %swap3A_202 {strides = array<i32>} : memref<128xi32, #tpu.memory_space<vmem>>, vector<16xi32>,
    %dma_start3A_203 = arith.constant 0 : i32
    %dma_start3A_204 = arith.constant 0 : i32
    %dma_start3A_205 = arith.constant 0 : i32
    %dma_start3A_206 = tpu.memref_slice %arg7[%dma_start3A_204, %dma_start3A_205] : memref<4x128xf32, #tpu.memory_space<vmem>> -> memref<1x128xf32, #tpu.memory_space<vmem>>
    %dma_start3A_207 = tpu.memref_squeeze %dma_start3A_206 : memref<1x128xf32, #tpu.memory_space<vmem>> -> memref<128xf32, #tpu.memory_space<vmem>>
    %dma_start3A_208 = arith.constant 0 : i32
    %dma_start3A_209 = tpu.memref_slice %arg6[%dma_start3A_203, %dma_start3A_208] : memref<4x128xi32, #tpu.memory_space<vmem>> -> memref<1x128xi32, #tpu.memory_space<vmem>>
    %dma_start3A_210 = tpu.memref_squeeze %dma_start3A_209 : memref<1x128xi32, #tpu.memory_space<vmem>> -> memref<128xi32, #tpu.memory_space<vmem>>
    %dma_start3A_211 = arith.constant 0 : i32
    %dma_start3A_212 = tpu.memref_slice %arg3[%dma_start3A_211] : memref<1000000xf32, #tpu.memory_space<hbm>> -> memref<1000000xf32, #tpu.memory_space<hbm>>
    tpu.enqueue_indirect_dma source(%dma_start3A_212 : memref<1000000xf32, #tpu.memory_space<hbm>>) target(%dma_start3A_207 : memref<128xf32, #tpu.memory_space<vmem>>) offsets(%dma_start3A_210 : memref<128xi32, #tpu.memory_space<vmem>>) semaphore(%arg12 : memref<!tpu.dma_semaphore, #tpu.memory_space<semaphore_mem>>)
    %dma_wait3A_213 = arith.constant 128 : i32
    %dma_wait3A_214 = tpu.memref_slice %arg5[%dma_wait3A_213] : memref<512xi32, #tpu.memory_space<vmem>> -> memref<128xi32, #tpu.memory_space<vmem>>
    %dma_wait3A_215 = tpu.memref_slice %arg2[%add3A_11] : memref<16384xi32, #tpu.memory_space<hbm>> -> memref<128xi32, #tpu.memory_space<hbm>>
    %dma_wait3A_216 = arith.constant 128 : i32
    %dma_wait3A_217 = tpu.memref_slice %arg5[%dma_wait3A_216] : memref<512xi32, #tpu.memory_space<vmem>> -> memref<128xi32, #tpu.memory_space<vmem>>
    %dma_wait3A_218 = tpu.memref_slice %arg2[%add3A_11] : memref<16384xi32, #tpu.memory_space<hbm>> -> memref<128xi32, #tpu.memory_space<hbm>>
    tpu.wait_dma2 semaphore(%arg9 : memref<!tpu.dma_semaphore, #tpu.memory_space<semaphore_mem>>) src(%dma_wait3A_218 : memref<128xi32, #tpu.memory_space<hbm>>) dst(%dma_wait3A_217 : memref<128xi32, #tpu.memory_space<vmem>>)
    %get3A_219 = arith.constant 128 : index
    %get3A_220 = tpu.vector_load %arg5[%get3A_219] {strides = array<i32>} : memref<512xi32, #tpu.memory_space<vmem>>, vector<16xi32>,
    %get3A_221 = vector.shape_cast %get3A_220 : vector<16xi32> to vector<16xi32>
    %shift_right_arithmetic3A_222 = arith.constant 16 : i32
    %shift_right_arithmetic3A_223 = vector.broadcast %shift_right_arithmetic3A_222 : i32 to vector<16xi32>
    %shift_right_arithmetic3A_224 = arith.shrsi %get3A_221, %shift_right_arithmetic3A_223 : vector<16xi32>
    %mul3A_225 = arith.constant 1000 : i32
    %mul3A_226 = vector.broadcast %mul3A_225 : i32 to vector<16xi32>
    %mul3A_227 = arith.muli %shift_right_arithmetic3A_224, %mul3A_226 : vector<16xi32>
    %and3A_228 = arith.constant 65535 : i32
    %and3A_229 = vector.broadcast %and3A_228 : i32 to vector<16xi32>
    %and3A_230 = arith.andi %get3A_221, %and3A_229 : vector<16xi32>
    %add3A_231 = arith.addi %mul3A_227, %and3A_230 : vector<16xi32>
    %swap3A_232 = arith.constant 1 : i32
    %swap3A_233 = arith.constant 0 : i32
    %swap3A_234 = tpu.memref_slice %arg6[%swap3A_232, %swap3A_233] : memref<4x128xi32, #tpu.memory_space<vmem>> -> memref<1x128xi32, #tpu.memory_space<vmem>>
    %swap3A_235 = tpu.memref_squeeze %swap3A_234 : memref<1x128xi32, #tpu.memory_space<vmem>> -> memref<128xi32, #tpu.memory_space<vmem>>
    %swap3A_236 = arith.constant 0 : index
    %swap3A_237 = tpu.vector_load %swap3A_235[%swap3A_236] {strides = array<i32>} : memref<128xi32, #tpu.memory_space<vmem>>, vector<16xi32>,
    %swap3A_238 = vector.shape_cast %swap3A_237 : vector<16xi32> to vector<16xi32>
    %swap3A_239 = vector.shape_cast %add3A_231 : vector<16xi32> to vector<16xi32>
    tpu.vector_store %swap3A_235[%swap3A_236], %swap3A_239 {strides = array<i32>} : memref<128xi32, #tpu.memory_space<vmem>>, vector<16xi32>,
    %get3A_240 = arith.constant 144 : index
    %get3A_241 = tpu.vector_load %arg5[%get3A_240] {strides = array<i32>} : memref<512xi32, #tpu.memory_space<vmem>>, vector<16xi32>,
    %get3A_242 = vector.shape_cast %get3A_241 : vector<16xi32> to vector<16xi32>
    %shift_right_arithmetic3A_243 = arith.constant 16 : i32
    %shift_right_arithmetic3A_244 = vector.broadcast %shift_right_arithmetic3A_243 : i32 to vector<16xi32>
    %shift_right_arithmetic3A_245 = arith.shrsi %get3A_242, %shift_right_arithmetic3A_244 : vector<16xi32>
    %mul3A_246 = arith.constant 1000 : i32
    %mul3A_247 = vector.broadcast %mul3A_246 : i32 to vector<16xi32>
    %mul3A_248 = arith.muli %shift_right_arithmetic3A_245, %mul3A_247 : vector<16xi32>
    %and3A_249 = arith.constant 65535 : i32
    %and3A_250 = vector.broadcast %and3A_249 : i32 to vector<16xi32>
    %and3A_251 = arith.andi %get3A_242, %and3A_250 : vector<16xi32>
    %add3A_252 = arith.addi %mul3A_248, %and3A_251 : vector<16xi32>
    %swap3A_253 = arith.constant 1 : i32
    %swap3A_254 = arith.constant 0 : i32
    %swap3A_255 = tpu.memref_slice %arg6[%swap3A_253, %swap3A_254] : memref<4x128xi32, #tpu.memory_space<vmem>> -> memref<1x128xi32, #tpu.memory_space<vmem>>
    %swap3A_256 = tpu.memref_squeeze %swap3A_255 : memref<1x128xi32, #tpu.memory_space<vmem>> -> memref<128xi32, #tpu.memory_space<vmem>>
    %swap3A_257 = arith.constant 16 : index
    %swap3A_258 = tpu.vector_load %swap3A_256[%swap3A_257] {strides = array<i32>} : memref<128xi32, #tpu.memory_space<vmem>>, vector<16xi32>,
    %swap3A_259 = vector.shape_cast %swap3A_258 : vector<16xi32> to vector<16xi32>
    %swap3A_260 = vector.shape_cast %add3A_252 : vector<16xi32> to vector<16xi32>
    tpu.vector_store %swap3A_256[%swap3A_257], %swap3A_260 {strides = array<i32>} : memref<128xi32, #tpu.memory_space<vmem>>, vector<16xi32>,
    %get3A_261 = arith.constant 160 : index
    %get3A_262 = tpu.vector_load %arg5[%get3A_261] {strides = array<i32>} : memref<512xi32, #tpu.memory_space<vmem>>, vector<16xi32>,
    %get3A_263 = vector.shape_cast %get3A_262 : vector<16xi32> to vector<16xi32>
    %shift_right_arithmetic3A_264 = arith.constant 16 : i32
    %shift_right_arithmetic3A_265 = vector.broadcast %shift_right_arithmetic3A_264 : i32 to vector<16xi32>
    %shift_right_arithmetic3A_266 = arith.shrsi %get3A_263, %shift_right_arithmetic3A_265 : vector<16xi32>
    %mul3A_267 = arith.constant 1000 : i32
    %mul3A_268 = vector.broadcast %mul3A_267 : i32 to vector<16xi32>
    %mul3A_269 = arith.muli %shift_right_arithmetic3A_266, %mul3A_268 : vector<16xi32>
    %and3A_270 = arith.constant 65535 : i32
    %and3A_271 = vector.broadcast %and3A_270 : i32 to vector<16xi32>
    %and3A_272 = arith.andi %get3A_263, %and3A_271 : vector<16xi32>
    %add3A_273 = arith.addi %mul3A_269, %and3A_272 : vector<16xi32>
    %swap3A_274 = arith.constant 1 : i32
    %swap3A_275 = arith.constant 0 : i32
    %swap3A_276 = tpu.memref_slice %arg6[%swap3A_274, %swap3A_275] : memref<4x128xi32, #tpu.memory_space<vmem>> -> memref<1x128xi32, #tpu.memory_space<vmem>>
    %swap3A_277 = tpu.memref_squeeze %swap3A_276 : memref<1x128xi32, #tpu.memory_space<vmem>> -> memref<128xi32, #tpu.memory_space<vmem>>
    %swap3A_278 = arith.constant 32 : index
    %swap3A_279 = tpu.vector_load %swap3A_277[%swap3A_278] {strides = array<i32>} : memref<128xi32, #tpu.memory_space<vmem>>, vector<16xi32>,
    %swap3A_280 = vector.shape_cast %swap3A_279 : vector<16xi32> to vector<16xi32>
    %swap3A_281 = vector.shape_cast %add3A_273 : vector<16xi32> to vector<16xi32>
    tpu.vector_store %swap3A_277[%swap3A_278], %swap3A_281 {strides = array<i32>} : memref<128xi32, #tpu.memory_space<vmem>>, vector<16xi32>,
    %get3A_282 = arith.constant 176 : index
    %get3A_283 = tpu.vector_load %arg5[%get3A_282] {strides = array<i32>} : memref<512xi32, #tpu.memory_space<vmem>>, vector<16xi32>,
    %get3A_284 = vector.shape_cast %get3A_283 : vector<16xi32> to vector<16xi32>
    %shift_right_arithmetic3A_285 = arith.constant 16 : i32
    %shift_right_arithmetic3A_286 = vector.broadcast %shift_right_arithmetic3A_285 : i32 to vector<16xi32>
    %shift_right_arithmetic3A_287 = arith.shrsi %get3A_284, %shift_right_arithmetic3A_286 : vector<16xi32>
    %mul3A_288 = arith.constant 1000 : i32
    %mul3A_289 = vector.broadcast %mul3A_288 : i32 to vector<16xi32>
    %mul3A_290 = arith.muli %shift_right_arithmetic3A_287, %mul3A_289 : vector<16xi32>
    %and3A_291 = arith.constant 65535 : i32
    %and3A_292 = vector.broadcast %and3A_291 : i32 to vector<16xi32>
    %and3A_293 = arith.andi %get3A_284, %and3A_292 : vector<16xi32>
    %add3A_294 = arith.addi %mul3A_290, %and3A_293 : vector<16xi32>
    %swap3A_295 = arith.constant 1 : i32
    %swap3A_296 = arith.constant 0 : i32
    %swap3A_297 = tpu.memref_slice %arg6[%swap3A_295, %swap3A_296] : memref<4x128xi32, #tpu.memory_space<vmem>> -> memref<1x128xi32, #tpu.memory_space<vmem>>
    %swap3A_298 = tpu.memref_squeeze %swap3A_297 : memref<1x128xi32, #tpu.memory_space<vmem>> -> memref<128xi32, #tpu.memory_space<vmem>>
    %swap3A_299 = arith.constant 48 : index
    %swap3A_300 = tpu.vector_load %swap3A_298[%swap3A_299] {strides = array<i32>} : memref<128xi32, #tpu.memory_space<vmem>>, vector<16xi32>,
    %swap3A_301 = vector.shape_cast %swap3A_300 : vector<16xi32> to vector<16xi32>
    %swap3A_302 = vector.shape_cast %add3A_294 : vector<16xi32> to vector<16xi32>
    tpu.vector_store %swap3A_298[%swap3A_299], %swap3A_302 {strides = array<i32>} : memref<128xi32, #tpu.memory_space<vmem>>, vector<16xi32>,
    %get3A_303 = arith.constant 192 : index
    %get3A_304 = tpu.vector_load %arg5[%get3A_303] {strides = array<i32>} : memref<512xi32, #tpu.memory_space<vmem>>, vector<16xi32>,
    %get3A_305 = vector.shape_cast %get3A_304 : vector<16xi32> to vector<16xi32>
    %shift_right_arithmetic3A_306 = arith.constant 16 : i32
    %shift_right_arithmetic3A_307 = vector.broadcast %shift_right_arithmetic3A_306 : i32 to vector<16xi32>
    %shift_right_arithmetic3A_308 = arith.shrsi %get3A_305, %shift_right_arithmetic3A_307 : vector<16xi32>
    %mul3A_309 = arith.constant 1000 : i32
    %mul3A_310 = vector.broadcast %mul3A_309 : i32 to vector<16xi32>
    %mul3A_311 = arith.muli %shift_right_arithmetic3A_308, %mul3A_310 : vector<16xi32>
    %and3A_312 = arith.constant 65535 : i32
    %and3A_313 = vector.broadcast %and3A_312 : i32 to vector<16xi32>
    %and3A_314 = arith.andi %get3A_305, %and3A_313 : vector<16xi32>
    %add3A_315 = arith.addi %mul3A_311, %and3A_314 : vector<16xi32>
    %swap3A_316 = arith.constant 1 : i32
    %swap3A_317 = arith.constant 0 : i32
    %swap3A_318 = tpu.memref_slice %arg6[%swap3A_316, %swap3A_317] : memref<4x128xi32, #tpu.memory_space<vmem>> -> memref<1x128xi32, #tpu.memory_space<vmem>>
    %swap3A_319 = tpu.memref_squeeze %swap3A_318 : memref<1x128xi32, #tpu.memory_space<vmem>> -> memref<128xi32, #tpu.memory_space<vmem>>
    %swap3A_320 = arith.constant 64 : index
    %swap3A_321 = tpu.vector_load %swap3A_319[%swap3A_320] {strides = array<i32>} : memref<128xi32, #tpu.memory_space<vmem>>, vector<16xi32>,
    %swap3A_322 = vector.shape_cast %swap3A_321 : vector<16xi32> to vector<16xi32>
    %swap3A_323 = vector.shape_cast %add3A_315 : vector<16xi32> to vector<16xi32>
    tpu.vector_store %swap3A_319[%swap3A_320], %swap3A_323 {strides = array<i32>} : memref<128xi32, #tpu.memory_space<vmem>>, vector<16xi32>,
    %get3A_324 = arith.constant 208 : index
    %get3A_325 = tpu.vector_load %arg5[%get3A_324] {strides = array<i32>} : memref<512xi32, #tpu.memory_space<vmem>>, vector<16xi32>,
    %get3A_326 = vector.shape_cast %get3A_325 : vector<16xi32> to vector<16xi32>
    %shift_right_arithmetic3A_327 = arith.constant 16 : i32
    %shift_right_arithmetic3A_328 = vector.broadcast %shift_right_arithmetic3A_327 : i32 to vector<16xi32>
    %shift_right_arithmetic3A_329 = arith.shrsi %get3A_326, %shift_right_arithmetic3A_328 : vector<16xi32>
    %mul3A_330 = arith.constant 1000 : i32
    %mul3A_331 = vector.broadcast %mul3A_330 : i32 to vector<16xi32>
    %mul3A_332 = arith.muli %shift_right_arithmetic3A_329, %mul3A_331 : vector<16xi32>
    %and3A_333 = arith.constant 65535 : i32
    %and3A_334 = vector.broadcast %and3A_333 : i32 to vector<16xi32>
    %and3A_335 = arith.andi %get3A_326, %and3A_334 : vector<16xi32>
    %add3A_336 = arith.addi %mul3A_332, %and3A_335 : vector<16xi32>
    %swap3A_337 = arith.constant 1 : i32
    %swap3A_338 = arith.constant 0 : i32
    %swap3A_339 = tpu.memref_slice %arg6[%swap3A_337, %swap3A_338] : memref<4x128xi32, #tpu.memory_space<vmem>> -> memref<1x128xi32, #tpu.memory_space<vmem>>
    %swap3A_340 = tpu.memref_squeeze %swap3A_339 : memref<1x128xi32, #tpu.memory_space<vmem>> -> memref<128xi32, #tpu.memory_space<vmem>>
    %swap3A_341 = arith.constant 80 : index
    %swap3A_342 = tpu.vector_load %swap3A_340[%swap3A_341] {strides = array<i32>} : memref<128xi32, #tpu.memory_space<vmem>>, vector<16xi32>,
    %swap3A_343 = vector.shape_cast %swap3A_342 : vector<16xi32> to vector<16xi32>
    %swap3A_344 = vector.shape_cast %add3A_336 : vector<16xi32> to vector<16xi32>
    tpu.vector_store %swap3A_340[%swap3A_341], %swap3A_344 {strides = array<i32>} : memref<128xi32, #tpu.memory_space<vmem>>, vector<16xi32>,
    %get3A_345 = arith.constant 224 : index
    %get3A_346 = tpu.vector_load %arg5[%get3A_345] {strides = array<i32>} : memref<512xi32, #tpu.memory_space<vmem>>, vector<16xi32>,
    %get3A_347 = vector.shape_cast %get3A_346 : vector<16xi32> to vector<16xi32>
    %shift_right_arithmetic3A_348 = arith.constant 16 : i32
    %shift_right_arithmetic3A_349 = vector.broadcast %shift_right_arithmetic3A_348 : i32 to vector<16xi32>
    %shift_right_arithmetic3A_350 = arith.shrsi %get3A_347, %shift_right_arithmetic3A_349 : vector<16xi32>
    %mul3A_351 = arith.constant 1000 : i32
    %mul3A_352 = vector.broadcast %mul3A_351 : i32 to vector<16xi32>
    %mul3A_353 = arith.muli %shift_right_arithmetic3A_350, %mul3A_352 : vector<16xi32>
    %and3A_354 = arith.constant 65535 : i32
    %and3A_355 = vector.broadcast %and3A_354 : i32 to vector<16xi32>
    %and3A_356 = arith.andi %get3A_347, %and3A_355 : vector<16xi32>
    %add3A_357 = arith.addi %mul3A_353, %and3A_356 : vector<16xi32>
    %swap3A_358 = arith.constant 1 : i32
    %swap3A_359 = arith.constant 0 : i32
    %swap3A_360 = tpu.memref_slice %arg6[%swap3A_358, %swap3A_359] : memref<4x128xi32, #tpu.memory_space<vmem>> -> memref<1x128xi32, #tpu.memory_space<vmem>>
    %swap3A_361 = tpu.memref_squeeze %swap3A_360 : memref<1x128xi32, #tpu.memory_space<vmem>> -> memref<128xi32, #tpu.memory_space<vmem>>
    %swap3A_362 = arith.constant 96 : index
    %swap3A_363 = tpu.vector_load %swap3A_361[%swap3A_362] {strides = array<i32>} : memref<128xi32, #tpu.memory_space<vmem>>, vector<16xi32>,
    %swap3A_364 = vector.shape_cast %swap3A_363 : vector<16xi32> to vector<16xi32>
    %swap3A_365 = vector.shape_cast %add3A_357 : vector<16xi32> to vector<16xi32>
    tpu.vector_store %swap3A_361[%swap3A_362], %swap3A_365 {strides = array<i32>} : memref<128xi32, #tpu.memory_space<vmem>>, vector<16xi32>,
    %get3A_366 = arith.constant 240 : index
    %get3A_367 = tpu.vector_load %arg5[%get3A_366] {strides = array<i32>} : memref<512xi32, #tpu.memory_space<vmem>>, vector<16xi32>,
    %get3A_368 = vector.shape_cast %get3A_367 : vector<16xi32> to vector<16xi32>
    %shift_right_arithmetic3A_369 = arith.constant 16 : i32
    %shift_right_arithmetic3A_370 = vector.broadcast %shift_right_arithmetic3A_369 : i32 to vector<16xi32>
    %shift_right_arithmetic3A_371 = arith.shrsi %get3A_368, %shift_right_arithmetic3A_370 : vector<16xi32>
    %mul3A_372 = arith.constant 1000 : i32
    %mul3A_373 = vector.broadcast %mul3A_372 : i32 to vector<16xi32>
    %mul3A_374 = arith.muli %shift_right_arithmetic3A_371, %mul3A_373 : vector<16xi32>
    %and3A_375 = arith.constant 65535 : i32
    %and3A_376 = vector.broadcast %and3A_375 : i32 to vector<16xi32>
    %and3A_377 = arith.andi %get3A_368, %and3A_376 : vector<16xi32>
    %add3A_378 = arith.addi %mul3A_374, %and3A_377 : vector<16xi32>
    %swap3A_379 = arith.constant 1 : i32
    %swap3A_380 = arith.constant 0 : i32
    %swap3A_381 = tpu.memref_slice %arg6[%swap3A_379, %swap3A_380] : memref<4x128xi32, #tpu.memory_space<vmem>> -> memref<1x128xi32, #tpu.memory_space<vmem>>
    %swap3A_382 = tpu.memref_squeeze %swap3A_381 : memref<1x128xi32, #tpu.memory_space<vmem>> -> memref<128xi32, #tpu.memory_space<vmem>>
    %swap3A_383 = arith.constant 112 : index
    %swap3A_384 = tpu.vector_load %swap3A_382[%swap3A_383] {strides = array<i32>} : memref<128xi32, #tpu.memory_space<vmem>>, vector<16xi32>,
    %swap3A_385 = vector.shape_cast %swap3A_384 : vector<16xi32> to vector<16xi32>
    %swap3A_386 = vector.shape_cast %add3A_378 : vector<16xi32> to vector<16xi32>
    tpu.vector_store %swap3A_382[%swap3A_383], %swap3A_386 {strides = array<i32>} : memref<128xi32, #tpu.memory_space<vmem>>, vector<16xi32>,
    %dma_start3A_387 = arith.constant 1 : i32
    %dma_start3A_388 = arith.constant 1 : i32
    %dma_start3A_389 = arith.constant 0 : i32
    %dma_start3A_390 = tpu.memref_slice %arg7[%dma_start3A_388, %dma_start3A_389] : memref<4x128xf32, #tpu.memory_space<vmem>> -> memref<1x128xf32, #tpu.memory_space<vmem>>
    %dma_start3A_391 = tpu.memref_squeeze %dma_start3A_390 : memref<1x128xf32, #tpu.memory_space<vmem>> -> memref<128xf32, #tpu.memory_space<vmem>>
    %dma_start3A_392 = arith.constant 0 : i32
    %dma_start3A_393 = tpu.memref_slice %arg6[%dma_start3A_387, %dma_start3A_392] : memref<4x128xi32, #tpu.memory_space<vmem>> -> memref<1x128xi32, #tpu.memory_space<vmem>>
    %dma_start3A_394 = tpu.memref_squeeze %dma_start3A_393 : memref<1x128xi32, #tpu.memory_space<vmem>> -> memref<128xi32, #tpu.memory_space<vmem>>
    %dma_start3A_395 = arith.constant 0 : i32
    %dma_start3A_396 = tpu.memref_slice %arg3[%dma_start3A_395] : memref<1000000xf32, #tpu.memory_space<hbm>> -> memref<1000000xf32, #tpu.memory_space<hbm>>
    tpu.enqueue_indirect_dma source(%dma_start3A_396 : memref<1000000xf32, #tpu.memory_space<hbm>>) target(%dma_start3A_391 : memref<128xf32, #tpu.memory_space<vmem>>) offsets(%dma_start3A_394 : memref<128xi32, #tpu.memory_space<vmem>>) semaphore(%arg13 : memref<!tpu.dma_semaphore, #tpu.memory_space<semaphore_mem>>)
    %dma_wait3A_397 = arith.constant 256 : i32
    %dma_wait3A_398 = tpu.memref_slice %arg5[%dma_wait3A_397] : memref<512xi32, #tpu.memory_space<vmem>> -> memref<128xi32, #tpu.memory_space<vmem>>
    %dma_wait3A_399 = tpu.memref_slice %arg2[%add3A_19] : memref<16384xi32, #tpu.memory_space<hbm>> -> memref<128xi32, #tpu.memory_space<hbm>>
    %dma_wait3A_400 = arith.constant 256 : i32
    %dma_wait3A_401 = tpu.memref_slice %arg5[%dma_wait3A_400] : memref<512xi32, #tpu.memory_space<vmem>> -> memref<128xi32, #tpu.memory_space<vmem>>
    %dma_wait3A_402 = tpu.memref_slice %arg2[%add3A_19] : memref<16384xi32, #tpu.memory_space<hbm>> -> memref<128xi32, #tpu.memory_space<hbm>>
    tpu.wait_dma2 semaphore(%arg10 : memref<!tpu.dma_semaphore, #tpu.memory_space<semaphore_mem>>) src(%dma_wait3A_402 : memref<128xi32, #tpu.memory_space<hbm>>) dst(%dma_wait3A_401 : memref<128xi32, #tpu.memory_space<vmem>>)
    %get3A_403 = arith.constant 256 : index
    %get3A_404 = tpu.vector_load %arg5[%get3A_403] {strides = array<i32>} : memref<512xi32, #tpu.memory_space<vmem>>, vector<16xi32>,
    %get3A_405 = vector.shape_cast %get3A_404 : vector<16xi32> to vector<16xi32>
    %shift_right_arithmetic3A_406 = arith.constant 16 : i32
    %shift_right_arithmetic3A_407 = vector.broadcast %shift_right_arithmetic3A_406 : i32 to vector<16xi32>
    %shift_right_arithmetic3A_408 = arith.shrsi %get3A_405, %shift_right_arithmetic3A_407 : vector<16xi32>
    %mul3A_409 = arith.constant 1000 : i32
    %mul3A_410 = vector.broadcast %mul3A_409 : i32 to vector<16xi32>
    %mul3A_411 = arith.muli %shift_right_arithmetic3A_408, %mul3A_410 : vector<16xi32>
    %and3A_412 = arith.constant 65535 : i32
    %and3A_413 = vector.broadcast %and3A_412 : i32 to vector<16xi32>
    %and3A_414 = arith.andi %get3A_405, %and3A_413 : vector<16xi32>
    %add3A_415 = arith.addi %mul3A_411, %and3A_414 : vector<16xi32>
    %swap3A_416 = arith.constant 2 : i32
    %swap3A_417 = arith.constant 0 : i32
    %swap3A_418 = tpu.memref_slice %arg6[%swap3A_416, %swap3A_417] : memref<4x128xi32, #tpu.memory_space<vmem>> -> memref<1x128xi32, #tpu.memory_space<vmem>>
    %swap3A_419 = tpu.memref_squeeze %swap3A_418 : memref<1x128xi32, #tpu.memory_space<vmem>> -> memref<128xi32, #tpu.memory_space<vmem>>
    %swap3A_420 = arith.constant 0 : index
    %swap3A_421 = tpu.vector_load %swap3A_419[%swap3A_420] {strides = array<i32>} : memref<128xi32, #tpu.memory_space<vmem>>, vector<16xi32>,
    %swap3A_422 = vector.shape_cast %swap3A_421 : vector<16xi32> to vector<16xi32>
    %swap3A_423 = vector.shape_cast %add3A_415 : vector<16xi32> to vector<16xi32>
    tpu.vector_store %swap3A_419[%swap3A_420], %swap3A_423 {strides = array<i32>} : memref<128xi32, #tpu.memory_space<vmem>>, vector<16xi32>,
    %get3A_424 = arith.constant 272 : index
    %get3A_425 = tpu.vector_load %arg5[%get3A_424] {strides = array<i32>} : memref<512xi32, #tpu.memory_space<vmem>>, vector<16xi32>,
    %get3A_426 = vector.shape_cast %get3A_425 : vector<16xi32> to vector<16xi32>
    %shift_right_arithmetic3A_427 = arith.constant 16 : i32
    %shift_right_arithmetic3A_428 = vector.broadcast %shift_right_arithmetic3A_427 : i32 to vector<16xi32>
    %shift_right_arithmetic3A_429 = arith.shrsi %get3A_426, %shift_right_arithmetic3A_428 : vector<16xi32>
    %mul3A_430 = arith.constant 1000 : i32
    %mul3A_431 = vector.broadcast %mul3A_430 : i32 to vector<16xi32>
    %mul3A_432 = arith.muli %shift_right_arithmetic3A_429, %mul3A_431 : vector<16xi32>
    %and3A_433 = arith.constant 65535 : i32
    %and3A_434 = vector.broadcast %and3A_433 : i32 to vector<16xi32>
    %and3A_435 = arith.andi %get3A_426, %and3A_434 : vector<16xi32>
    %add3A_436 = arith.addi %mul3A_432, %and3A_435 : vector<16xi32>
    %swap3A_437 = arith.constant 2 : i32
    %swap3A_438 = arith.constant 0 : i32
    %swap3A_439 = tpu.memref_slice %arg6[%swap3A_437, %swap3A_438] : memref<4x128xi32, #tpu.memory_space<vmem>> -> memref<1x128xi32, #tpu.memory_space<vmem>>
    %swap3A_440 = tpu.memref_squeeze %swap3A_439 : memref<1x128xi32, #tpu.memory_space<vmem>> -> memref<128xi32, #tpu.memory_space<vmem>>
    %swap3A_441 = arith.constant 16 : index
    %swap3A_442 = tpu.vector_load %swap3A_440[%swap3A_441] {strides = array<i32>} : memref<128xi32, #tpu.memory_space<vmem>>, vector<16xi32>,
    %swap3A_443 = vector.shape_cast %swap3A_442 : vector<16xi32> to vector<16xi32>
    %swap3A_444 = vector.shape_cast %add3A_436 : vector<16xi32> to vector<16xi32>
    tpu.vector_store %swap3A_440[%swap3A_441], %swap3A_444 {strides = array<i32>} : memref<128xi32, #tpu.memory_space<vmem>>, vector<16xi32>,
    %get3A_445 = arith.constant 288 : index
    %get3A_446 = tpu.vector_load %arg5[%get3A_445] {strides = array<i32>} : memref<512xi32, #tpu.memory_space<vmem>>, vector<16xi32>,
    %get3A_447 = vector.shape_cast %get3A_446 : vector<16xi32> to vector<16xi32>
    %shift_right_arithmetic3A_448 = arith.constant 16 : i32
    %shift_right_arithmetic3A_449 = vector.broadcast %shift_right_arithmetic3A_448 : i32 to vector<16xi32>
    %shift_right_arithmetic3A_450 = arith.shrsi %get3A_447, %shift_right_arithmetic3A_449 : vector<16xi32>
    %mul3A_451 = arith.constant 1000 : i32
    %mul3A_452 = vector.broadcast %mul3A_451 : i32 to vector<16xi32>
    %mul3A_453 = arith.muli %shift_right_arithmetic3A_450, %mul3A_452 : vector<16xi32>
    %and3A_454 = arith.constant 65535 : i32
    %and3A_455 = vector.broadcast %and3A_454 : i32 to vector<16xi32>
    %and3A_456 = arith.andi %get3A_447, %and3A_455 : vector<16xi32>
    %add3A_457 = arith.addi %mul3A_453, %and3A_456 : vector<16xi32>
    %swap3A_458 = arith.constant 2 : i32
    %swap3A_459 = arith.constant 0 : i32
    %swap3A_460 = tpu.memref_slice %arg6[%swap3A_458, %swap3A_459] : memref<4x128xi32, #tpu.memory_space<vmem>> -> memref<1x128xi32, #tpu.memory_space<vmem>>
    %swap3A_461 = tpu.memref_squeeze %swap3A_460 : memref<1x128xi32, #tpu.memory_space<vmem>> -> memref<128xi32, #tpu.memory_space<vmem>>
    %swap3A_462 = arith.constant 32 : index
    %swap3A_463 = tpu.vector_load %swap3A_461[%swap3A_462] {strides = array<i32>} : memref<128xi32, #tpu.memory_space<vmem>>, vector<16xi32>,
    %swap3A_464 = vector.shape_cast %swap3A_463 : vector<16xi32> to vector<16xi32>
    %swap3A_465 = vector.shape_cast %add3A_457 : vector<16xi32> to vector<16xi32>
    tpu.vector_store %swap3A_461[%swap3A_462], %swap3A_465 {strides = array<i32>} : memref<128xi32, #tpu.memory_space<vmem>>, vector<16xi32>,
    %get3A_466 = arith.constant 304 : index
    %get3A_467 = tpu.vector_load %arg5[%get3A_466] {strides = array<i32>} : memref<512xi32, #tpu.memory_space<vmem>>, vector<16xi32>,
    %get3A_468 = vector.shape_cast %get3A_467 : vector<16xi32> to vector<16xi32>
    %shift_right_arithmetic3A_469 = arith.constant 16 : i32
    %shift_right_arithmetic3A_470 = vector.broadcast %shift_right_arithmetic3A_469 : i32 to vector<16xi32>
    %shift_right_arithmetic3A_471 = arith.shrsi %get3A_468, %shift_right_arithmetic3A_470 : vector<16xi32>
    %mul3A_472 = arith.constant 1000 : i32
    %mul3A_473 = vector.broadcast %mul3A_472 : i32 to vector<16xi32>
    %mul3A_474 = arith.muli %shift_right_arithmetic3A_471, %mul3A_473 : vector<16xi32>
    %and3A_475 = arith.constant 65535 : i32
    %and3A_476 = vector.broadcast %and3A_475 : i32 to vector<16xi32>
    %and3A_477 = arith.andi %get3A_468, %and3A_476 : vector<16xi32>
    %add3A_478 = arith.addi %mul3A_474, %and3A_477 : vector<16xi32>
    %swap3A_479 = arith.constant 2 : i32
    %swap3A_480 = arith.constant 0 : i32
    %swap3A_481 = tpu.memref_slice %arg6[%swap3A_479, %swap3A_480] : memref<4x128xi32, #tpu.memory_space<vmem>> -> memref<1x128xi32, #tpu.memory_space<vmem>>
    %swap3A_482 = tpu.memref_squeeze %swap3A_481 : memref<1x128xi32, #tpu.memory_space<vmem>> -> memref<128xi32, #tpu.memory_space<vmem>>
    %swap3A_483 = arith.constant 48 : index
    %swap3A_484 = tpu.vector_load %swap3A_482[%swap3A_483] {strides = array<i32>} : memref<128xi32, #tpu.memory_space<vmem>>, vector<16xi32>,
    %swap3A_485 = vector.shape_cast %swap3A_484 : vector<16xi32> to vector<16xi32>
    %swap3A_486 = vector.shape_cast %add3A_478 : vector<16xi32> to vector<16xi32>
    tpu.vector_store %swap3A_482[%swap3A_483], %swap3A_486 {strides = array<i32>} : memref<128xi32, #tpu.memory_space<vmem>>, vector<16xi32>,
    %get3A_487 = arith.constant 320 : index
    %get3A_488 = tpu.vector_load %arg5[%get3A_487] {strides = array<i32>} : memref<512xi32, #tpu.memory_space<vmem>>, vector<16xi32>,
    %get3A_489 = vector.shape_cast %get3A_488 : vector<16xi32> to vector<16xi32>
    %shift_right_arithmetic3A_490 = arith.constant 16 : i32
    %shift_right_arithmetic3A_491 = vector.broadcast %shift_right_arithmetic3A_490 : i32 to vector<16xi32>
    %shift_right_arithmetic3A_492 = arith.shrsi %get3A_489, %shift_right_arithmetic3A_491 : vector<16xi32>
    %mul3A_493 = arith.constant 1000 : i32
    %mul3A_494 = vector.broadcast %mul3A_493 : i32 to vector<16xi32>
    %mul3A_495 = arith.muli %shift_right_arithmetic3A_492, %mul3A_494 : vector<16xi32>
    %and3A_496 = arith.constant 65535 : i32
    %and3A_497 = vector.broadcast %and3A_496 : i32 to vector<16xi32>
    %and3A_498 = arith.andi %get3A_489, %and3A_497 : vector<16xi32>
    %add3A_499 = arith.addi %mul3A_495, %and3A_498 : vector<16xi32>
    %swap3A_500 = arith.constant 2 : i32
    %swap3A_501 = arith.constant 0 : i32
    %swap3A_502 = tpu.memref_slice %arg6[%swap3A_500, %swap3A_501] : memref<4x128xi32, #tpu.memory_space<vmem>> -> memref<1x128xi32, #tpu.memory_space<vmem>>
    %swap3A_503 = tpu.memref_squeeze %swap3A_502 : memref<1x128xi32, #tpu.memory_space<vmem>> -> memref<128xi32, #tpu.memory_space<vmem>>
    %swap3A_504 = arith.constant 64 : index
    %swap3A_505 = tpu.vector_load %swap3A_503[%swap3A_504] {strides = array<i32>} : memref<128xi32, #tpu.memory_space<vmem>>, vector<16xi32>,
    %swap3A_506 = vector.shape_cast %swap3A_505 : vector<16xi32> to vector<16xi32>
    %swap3A_507 = vector.shape_cast %add3A_499 : vector<16xi32> to vector<16xi32>
    tpu.vector_store %swap3A_503[%swap3A_504], %swap3A_507 {strides = array<i32>} : memref<128xi32, #tpu.memory_space<vmem>>, vector<16xi32>,
    %get3A_508 = arith.constant 336 : index
    %get3A_509 = tpu.vector_load %arg5[%get3A_508] {strides = array<i32>} : memref<512xi32, #tpu.memory_space<vmem>>, vector<16xi32>,
    %get3A_510 = vector.shape_cast %get3A_509 : vector<16xi32> to vector<16xi32>
    %shift_right_arithmetic3A_511 = arith.constant 16 : i32
    %shift_right_arithmetic3A_512 = vector.broadcast %shift_right_arithmetic3A_511 : i32 to vector<16xi32>
    %shift_right_arithmetic3A_513 = arith.shrsi %get3A_510, %shift_right_arithmetic3A_512 : vector<16xi32>
    %mul3A_514 = arith.constant 1000 : i32
    %mul3A_515 = vector.broadcast %mul3A_514 : i32 to vector<16xi32>
    %mul3A_516 = arith.muli %shift_right_arithmetic3A_513, %mul3A_515 : vector<16xi32>
    %and3A_517 = arith.constant 65535 : i32
    %and3A_518 = vector.broadcast %and3A_517 : i32 to vector<16xi32>
    %and3A_519 = arith.andi %get3A_510, %and3A_518 : vector<16xi32>
    %add3A_520 = arith.addi %mul3A_516, %and3A_519 : vector<16xi32>
    %swap3A_521 = arith.constant 2 : i32
    %swap3A_522 = arith.constant 0 : i32
    %swap3A_523 = tpu.memref_slice %arg6[%swap3A_521, %swap3A_522] : memref<4x128xi32, #tpu.memory_space<vmem>> -> memref<1x128xi32, #tpu.memory_space<vmem>>
    %swap3A_524 = tpu.memref_squeeze %swap3A_523 : memref<1x128xi32, #tpu.memory_space<vmem>> -> memref<128xi32, #tpu.memory_space<vmem>>
    %swap3A_525 = arith.constant 80 : index
    %swap3A_526 = tpu.vector_load %swap3A_524[%swap3A_525] {strides = array<i32>} : memref<128xi32, #tpu.memory_space<vmem>>, vector<16xi32>,
    %swap3A_527 = vector.shape_cast %swap3A_526 : vector<16xi32> to vector<16xi32>
    %swap3A_528 = vector.shape_cast %add3A_520 : vector<16xi32> to vector<16xi32>
    tpu.vector_store %swap3A_524[%swap3A_525], %swap3A_528 {strides = array<i32>} : memref<128xi32, #tpu.memory_space<vmem>>, vector<16xi32>,
    %get3A_529 = arith.constant 352 : index
    %get3A_530 = tpu.vector_load %arg5[%get3A_529] {strides = array<i32>} : memref<512xi32, #tpu.memory_space<vmem>>, vector<16xi32>,
    %get3A_531 = vector.shape_cast %get3A_530 : vector<16xi32> to vector<16xi32>
    %shift_right_arithmetic3A_532 = arith.constant 16 : i32
    %shift_right_arithmetic3A_533 = vector.broadcast %shift_right_arithmetic3A_532 : i32 to vector<16xi32>
    %shift_right_arithmetic3A_534 = arith.shrsi %get3A_531, %shift_right_arithmetic3A_533 : vector<16xi32>
    %mul3A_535 = arith.constant 1000 : i32
    %mul3A_536 = vector.broadcast %mul3A_535 : i32 to vector<16xi32>
    %mul3A_537 = arith.muli %shift_right_arithmetic3A_534, %mul3A_536 : vector<16xi32>
    %and3A_538 = arith.constant 65535 : i32
    %and3A_539 = vector.broadcast %and3A_538 : i32 to vector<16xi32>
    %and3A_540 = arith.andi %get3A_531, %and3A_539 : vector<16xi32>
    %add3A_541 = arith.addi %mul3A_537, %and3A_540 : vector<16xi32>
    %swap3A_542 = arith.constant 2 : i32
    %swap3A_543 = arith.constant 0 : i32
    %swap3A_544 = tpu.memref_slice %arg6[%swap3A_542, %swap3A_543] : memref<4x128xi32, #tpu.memory_space<vmem>> -> memref<1x128xi32, #tpu.memory_space<vmem>>
    %swap3A_545 = tpu.memref_squeeze %swap3A_544 : memref<1x128xi32, #tpu.memory_space<vmem>> -> memref<128xi32, #tpu.memory_space<vmem>>
    %swap3A_546 = arith.constant 96 : index
    %swap3A_547 = tpu.vector_load %swap3A_545[%swap3A_546] {strides = array<i32>} : memref<128xi32, #tpu.memory_space<vmem>>, vector<16xi32>,
    %swap3A_548 = vector.shape_cast %swap3A_547 : vector<16xi32> to vector<16xi32>
    %swap3A_549 = vector.shape_cast %add3A_541 : vector<16xi32> to vector<16xi32>
    tpu.vector_store %swap3A_545[%swap3A_546], %swap3A_549 {strides = array<i32>} : memref<128xi32, #tpu.memory_space<vmem>>, vector<16xi32>,
    %get3A_550 = arith.constant 368 : index
    %get3A_551 = tpu.vector_load %arg5[%get3A_550] {strides = array<i32>} : memref<512xi32, #tpu.memory_space<vmem>>, vector<16xi32>,
    %get3A_552 = vector.shape_cast %get3A_551 : vector<16xi32> to vector<16xi32>
    %shift_right_arithmetic3A_553 = arith.constant 16 : i32
    %shift_right_arithmetic3A_554 = vector.broadcast %shift_right_arithmetic3A_553 : i32 to vector<16xi32>
    %shift_right_arithmetic3A_555 = arith.shrsi %get3A_552, %shift_right_arithmetic3A_554 : vector<16xi32>
    %mul3A_556 = arith.constant 1000 : i32
    %mul3A_557 = vector.broadcast %mul3A_556 : i32 to vector<16xi32>
    %mul3A_558 = arith.muli %shift_right_arithmetic3A_555, %mul3A_557 : vector<16xi32>
    %and3A_559 = arith.constant 65535 : i32
    %and3A_560 = vector.broadcast %and3A_559 : i32 to vector<16xi32>
    %and3A_561 = arith.andi %get3A_552, %and3A_560 : vector<16xi32>
    %add3A_562 = arith.addi %mul3A_558, %and3A_561 : vector<16xi32>
    %swap3A_563 = arith.constant 2 : i32
    %swap3A_564 = arith.constant 0 : i32
    %swap3A_565 = tpu.memref_slice %arg6[%swap3A_563, %swap3A_564] : memref<4x128xi32, #tpu.memory_space<vmem>> -> memref<1x128xi32, #tpu.memory_space<vmem>>
    %swap3A_566 = tpu.memref_squeeze %swap3A_565 : memref<1x128xi32, #tpu.memory_space<vmem>> -> memref<128xi32, #tpu.memory_space<vmem>>
    %swap3A_567 = arith.constant 112 : index
    %swap3A_568 = tpu.vector_load %swap3A_566[%swap3A_567] {strides = array<i32>} : memref<128xi32, #tpu.memory_space<vmem>>, vector<16xi32>,
    %swap3A_569 = vector.shape_cast %swap3A_568 : vector<16xi32> to vector<16xi32>
    %swap3A_570 = vector.shape_cast %add3A_562 : vector<16xi32> to vector<16xi32>
    tpu.vector_store %swap3A_566[%swap3A_567], %swap3A_570 {strides = array<i32>} : memref<128xi32, #tpu.memory_space<vmem>>, vector<16xi32>,
    %dma_start3A_571 = arith.constant 2 : i32
    %dma_start3A_572 = arith.constant 2 : i32
    %dma_start3A_573 = arith.constant 0 : i32
    %dma_start3A_574 = tpu.memref_slice %arg7[%dma_start3A_572, %dma_start3A_573] : memref<4x128xf32, #tpu.memory_space<vmem>> -> memref<1x128xf32, #tpu.memory_space<vmem>>
    %dma_start3A_575 = tpu.memref_squeeze %dma_start3A_574 : memref<1x128xf32, #tpu.memory_space<vmem>> -> memref<128xf32, #tpu.memory_space<vmem>>
    %dma_start3A_576 = arith.constant 0 : i32
    %dma_start3A_577 = tpu.memref_slice %arg6[%dma_start3A_571, %dma_start3A_576] : memref<4x128xi32, #tpu.memory_space<vmem>> -> memref<1x128xi32, #tpu.memory_space<vmem>>
    %dma_start3A_578 = tpu.memref_squeeze %dma_start3A_577 : memref<1x128xi32, #tpu.memory_space<vmem>> -> memref<128xi32, #tpu.memory_space<vmem>>
    %dma_start3A_579 = arith.constant 0 : i32
    %dma_start3A_580 = tpu.memref_slice %arg3[%dma_start3A_579] : memref<1000000xf32, #tpu.memory_space<hbm>> -> memref<1000000xf32, #tpu.memory_space<hbm>>
    tpu.enqueue_indirect_dma source(%dma_start3A_580 : memref<1000000xf32, #tpu.memory_space<hbm>>) target(%dma_start3A_575 : memref<128xf32, #tpu.memory_space<vmem>>) offsets(%dma_start3A_578 : memref<128xi32, #tpu.memory_space<vmem>>) semaphore(%arg14 : memref<!tpu.dma_semaphore, #tpu.memory_space<semaphore_mem>>)
    %dma_wait3A_581 = arith.constant 384 : i32
    %dma_wait3A_582 = tpu.memref_slice %arg5[%dma_wait3A_581] : memref<512xi32, #tpu.memory_space<vmem>> -> memref<128xi32, #tpu.memory_space<vmem>>
    %dma_wait3A_583 = tpu.memref_slice %arg2[%add3A_27] : memref<16384xi32, #tpu.memory_space<hbm>> -> memref<128xi32, #tpu.memory_space<hbm>>
    %dma_wait3A_584 = arith.constant 384 : i32
    %dma_wait3A_585 = tpu.memref_slice %arg5[%dma_wait3A_584] : memref<512xi32, #tpu.memory_space<vmem>> -> memref<128xi32, #tpu.memory_space<vmem>>
    %dma_wait3A_586 = tpu.memref_slice %arg2[%add3A_27] : memref<16384xi32, #tpu.memory_space<hbm>> -> memref<128xi32, #tpu.memory_space<hbm>>
    tpu.wait_dma2 semaphore(%arg11 : memref<!tpu.dma_semaphore, #tpu.memory_space<semaphore_mem>>) src(%dma_wait3A_586 : memref<128xi32, #tpu.memory_space<hbm>>) dst(%dma_wait3A_585 : memref<128xi32, #tpu.memory_space<vmem>>)
    %get3A_587 = arith.constant 384 : index
    %get3A_588 = tpu.vector_load %arg5[%get3A_587] {strides = array<i32>} : memref<512xi32, #tpu.memory_space<vmem>>, vector<16xi32>,
    %get3A_589 = vector.shape_cast %get3A_588 : vector<16xi32> to vector<16xi32>
    %shift_right_arithmetic3A_590 = arith.constant 16 : i32
    %shift_right_arithmetic3A_591 = vector.broadcast %shift_right_arithmetic3A_590 : i32 to vector<16xi32>
    %shift_right_arithmetic3A_592 = arith.shrsi %get3A_589, %shift_right_arithmetic3A_591 : vector<16xi32>
    %mul3A_593 = arith.constant 1000 : i32
    %mul3A_594 = vector.broadcast %mul3A_593 : i32 to vector<16xi32>
    %mul3A_595 = arith.muli %shift_right_arithmetic3A_592, %mul3A_594 : vector<16xi32>
    %and3A_596 = arith.constant 65535 : i32
    %and3A_597 = vector.broadcast %and3A_596 : i32 to vector<16xi32>
    %and3A_598 = arith.andi %get3A_589, %and3A_597 : vector<16xi32>
    %add3A_599 = arith.addi %mul3A_595, %and3A_598 : vector<16xi32>
    %swap3A_600 = arith.constant 3 : i32
    %swap3A_601 = arith.constant 0 : i32
    %swap3A_602 = tpu.memref_slice %arg6[%swap3A_600, %swap3A_601] : memref<4x128xi32, #tpu.memory_space<vmem>> -> memref<1x128xi32, #tpu.memory_space<vmem>>
    %swap3A_603 = tpu.memref_squeeze %swap3A_602 : memref<1x128xi32, #tpu.memory_space<vmem>> -> memref<128xi32, #tpu.memory_space<vmem>>
    %swap3A_604 = arith.constant 0 : index
    %swap3A_605 = tpu.vector_load %swap3A_603[%swap3A_604] {strides = array<i32>} : memref<128xi32, #tpu.memory_space<vmem>>, vector<16xi32>,
    %swap3A_606 = vector.shape_cast %swap3A_605 : vector<16xi32> to vector<16xi32>
    %swap3A_607 = vector.shape_cast %add3A_599 : vector<16xi32> to vector<16xi32>
    tpu.vector_store %swap3A_603[%swap3A_604], %swap3A_607 {strides = array<i32>} : memref<128xi32, #tpu.memory_space<vmem>>, vector<16xi32>,
    %get3A_608 = arith.constant 400 : index
    %get3A_609 = tpu.vector_load %arg5[%get3A_608] {strides = array<i32>} : memref<512xi32, #tpu.memory_space<vmem>>, vector<16xi32>,
    %get3A_610 = vector.shape_cast %get3A_609 : vector<16xi32> to vector<16xi32>
    %shift_right_arithmetic3A_611 = arith.constant 16 : i32
    %shift_right_arithmetic3A_612 = vector.broadcast %shift_right_arithmetic3A_611 : i32 to vector<16xi32>
    %shift_right_arithmetic3A_613 = arith.shrsi %get3A_610, %shift_right_arithmetic3A_612 : vector<16xi32>
    %mul3A_614 = arith.constant 1000 : i32
    %mul3A_615 = vector.broadcast %mul3A_614 : i32 to vector<16xi32>
    %mul3A_616 = arith.muli %shift_right_arithmetic3A_613, %mul3A_615 : vector<16xi32>
    %and3A_617 = arith.constant 65535 : i32
    %and3A_618 = vector.broadcast %and3A_617 : i32 to vector<16xi32>
    %and3A_619 = arith.andi %get3A_610, %and3A_618 : vector<16xi32>
    %add3A_620 = arith.addi %mul3A_616, %and3A_619 : vector<16xi32>
    %swap3A_621 = arith.constant 3 : i32
    %swap3A_622 = arith.constant 0 : i32
    %swap3A_623 = tpu.memref_slice %arg6[%swap3A_621, %swap3A_622] : memref<4x128xi32, #tpu.memory_space<vmem>> -> memref<1x128xi32, #tpu.memory_space<vmem>>
    %swap3A_624 = tpu.memref_squeeze %swap3A_623 : memref<1x128xi32, #tpu.memory_space<vmem>> -> memref<128xi32, #tpu.memory_space<vmem>>
    %swap3A_625 = arith.constant 16 : index
    %swap3A_626 = tpu.vector_load %swap3A_624[%swap3A_625] {strides = array<i32>} : memref<128xi32, #tpu.memory_space<vmem>>, vector<16xi32>,
    %swap3A_627 = vector.shape_cast %swap3A_626 : vector<16xi32> to vector<16xi32>
    %swap3A_628 = vector.shape_cast %add3A_620 : vector<16xi32> to vector<16xi32>
    tpu.vector_store %swap3A_624[%swap3A_625], %swap3A_628 {strides = array<i32>} : memref<128xi32, #tpu.memory_space<vmem>>, vector<16xi32>,
    %get3A_629 = arith.constant 416 : index
    %get3A_630 = tpu.vector_load %arg5[%get3A_629] {strides = array<i32>} : memref<512xi32, #tpu.memory_space<vmem>>, vector<16xi32>,
    %get3A_631 = vector.shape_cast %get3A_630 : vector<16xi32> to vector<16xi32>
    %shift_right_arithmetic3A_632 = arith.constant 16 : i32
    %shift_right_arithmetic3A_633 = vector.broadcast %shift_right_arithmetic3A_632 : i32 to vector<16xi32>
    %shift_right_arithmetic3A_634 = arith.shrsi %get3A_631, %shift_right_arithmetic3A_633 : vector<16xi32>
    %mul3A_635 = arith.constant 1000 : i32
    %mul3A_636 = vector.broadcast %mul3A_635 : i32 to vector<16xi32>
    %mul3A_637 = arith.muli %shift_right_arithmetic3A_634, %mul3A_636 : vector<16xi32>
    %and3A_638 = arith.constant 65535 : i32
    %and3A_639 = vector.broadcast %and3A_638 : i32 to vector<16xi32>
    %and3A_640 = arith.andi %get3A_631, %and3A_639 : vector<16xi32>
    %add3A_641 = arith.addi %mul3A_637, %and3A_640 : vector<16xi32>
    %swap3A_642 = arith.constant 3 : i32
    %swap3A_643 = arith.constant 0 : i32
    %swap3A_644 = tpu.memref_slice %arg6[%swap3A_642, %swap3A_643] : memref<4x128xi32, #tpu.memory_space<vmem>> -> memref<1x128xi32, #tpu.memory_space<vmem>>
    %swap3A_645 = tpu.memref_squeeze %swap3A_644 : memref<1x128xi32, #tpu.memory_space<vmem>> -> memref<128xi32, #tpu.memory_space<vmem>>
    %swap3A_646 = arith.constant 32 : index
    %swap3A_647 = tpu.vector_load %swap3A_645[%swap3A_646] {strides = array<i32>} : memref<128xi32, #tpu.memory_space<vmem>>, vector<16xi32>,
    %swap3A_648 = vector.shape_cast %swap3A_647 : vector<16xi32> to vector<16xi32>
    %swap3A_649 = vector.shape_cast %add3A_641 : vector<16xi32> to vector<16xi32>
    tpu.vector_store %swap3A_645[%swap3A_646], %swap3A_649 {strides = array<i32>} : memref<128xi32, #tpu.memory_space<vmem>>, vector<16xi32>,
    %get3A_650 = arith.constant 432 : index
    %get3A_651 = tpu.vector_load %arg5[%get3A_650] {strides = array<i32>} : memref<512xi32, #tpu.memory_space<vmem>>, vector<16xi32>,
    %get3A_652 = vector.shape_cast %get3A_651 : vector<16xi32> to vector<16xi32>
    %shift_right_arithmetic3A_653 = arith.constant 16 : i32
    %shift_right_arithmetic3A_654 = vector.broadcast %shift_right_arithmetic3A_653 : i32 to vector<16xi32>
    %shift_right_arithmetic3A_655 = arith.shrsi %get3A_652, %shift_right_arithmetic3A_654 : vector<16xi32>
    %mul3A_656 = arith.constant 1000 : i32
    %mul3A_657 = vector.broadcast %mul3A_656 : i32 to vector<16xi32>
    %mul3A_658 = arith.muli %shift_right_arithmetic3A_655, %mul3A_657 : vector<16xi32>
    %and3A_659 = arith.constant 65535 : i32
    %and3A_660 = vector.broadcast %and3A_659 : i32 to vector<16xi32>
    %and3A_661 = arith.andi %get3A_652, %and3A_660 : vector<16xi32>
    %add3A_662 = arith.addi %mul3A_658, %and3A_661 : vector<16xi32>
    %swap3A_663 = arith.constant 3 : i32
    %swap3A_664 = arith.constant 0 : i32
    %swap3A_665 = tpu.memref_slice %arg6[%swap3A_663, %swap3A_664] : memref<4x128xi32, #tpu.memory_space<vmem>> -> memref<1x128xi32, #tpu.memory_space<vmem>>
    %swap3A_666 = tpu.memref_squeeze %swap3A_665 : memref<1x128xi32, #tpu.memory_space<vmem>> -> memref<128xi32, #tpu.memory_space<vmem>>
    %swap3A_667 = arith.constant 48 : index
    %swap3A_668 = tpu.vector_load %swap3A_666[%swap3A_667] {strides = array<i32>} : memref<128xi32, #tpu.memory_space<vmem>>, vector<16xi32>,
    %swap3A_669 = vector.shape_cast %swap3A_668 : vector<16xi32> to vector<16xi32>
    %swap3A_670 = vector.shape_cast %add3A_662 : vector<16xi32> to vector<16xi32>
    tpu.vector_store %swap3A_666[%swap3A_667], %swap3A_670 {strides = array<i32>} : memref<128xi32, #tpu.memory_space<vmem>>, vector<16xi32>,
    %get3A_671 = arith.constant 448 : index
    %get3A_672 = tpu.vector_load %arg5[%get3A_671] {strides = array<i32>} : memref<512xi32, #tpu.memory_space<vmem>>, vector<16xi32>,
    %get3A_673 = vector.shape_cast %get3A_672 : vector<16xi32> to vector<16xi32>
    %shift_right_arithmetic3A_674 = arith.constant 16 : i32
    %shift_right_arithmetic3A_675 = vector.broadcast %shift_right_arithmetic3A_674 : i32 to vector<16xi32>
    %shift_right_arithmetic3A_676 = arith.shrsi %get3A_673, %shift_right_arithmetic3A_675 : vector<16xi32>
    %mul3A_677 = arith.constant 1000 : i32
    %mul3A_678 = vector.broadcast %mul3A_677 : i32 to vector<16xi32>
    %mul3A_679 = arith.muli %shift_right_arithmetic3A_676, %mul3A_678 : vector<16xi32>
    %and3A_680 = arith.constant 65535 : i32
    %and3A_681 = vector.broadcast %and3A_680 : i32 to vector<16xi32>
    %and3A_682 = arith.andi %get3A_673, %and3A_681 : vector<16xi32>
    %add3A_683 = arith.addi %mul3A_679, %and3A_682 : vector<16xi32>
    %swap3A_684 = arith.constant 3 : i32
    %swap3A_685 = arith.constant 0 : i32
    %swap3A_686 = tpu.memref_slice %arg6[%swap3A_684, %swap3A_685] : memref<4x128xi32, #tpu.memory_space<vmem>> -> memref<1x128xi32, #tpu.memory_space<vmem>>
    %swap3A_687 = tpu.memref_squeeze %swap3A_686 : memref<1x128xi32, #tpu.memory_space<vmem>> -> memref<128xi32, #tpu.memory_space<vmem>>
    %swap3A_688 = arith.constant 64 : index
    %swap3A_689 = tpu.vector_load %swap3A_687[%swap3A_688] {strides = array<i32>} : memref<128xi32, #tpu.memory_space<vmem>>, vector<16xi32>,
    %swap3A_690 = vector.shape_cast %swap3A_689 : vector<16xi32> to vector<16xi32>
    %swap3A_691 = vector.shape_cast %add3A_683 : vector<16xi32> to vector<16xi32>
    tpu.vector_store %swap3A_687[%swap3A_688], %swap3A_691 {strides = array<i32>} : memref<128xi32, #tpu.memory_space<vmem>>, vector<16xi32>,
    %get3A_692 = arith.constant 464 : index
    %get3A_693 = tpu.vector_load %arg5[%get3A_692] {strides = array<i32>} : memref<512xi32, #tpu.memory_space<vmem>>, vector<16xi32>,
    %get3A_694 = vector.shape_cast %get3A_693 : vector<16xi32> to vector<16xi32>
    %shift_right_arithmetic3A_695 = arith.constant 16 : i32
    %shift_right_arithmetic3A_696 = vector.broadcast %shift_right_arithmetic3A_695 : i32 to vector<16xi32>
    %shift_right_arithmetic3A_697 = arith.shrsi %get3A_694, %shift_right_arithmetic3A_696 : vector<16xi32>
    %mul3A_698 = arith.constant 1000 : i32
    %mul3A_699 = vector.broadcast %mul3A_698 : i32 to vector<16xi32>
    %mul3A_700 = arith.muli %shift_right_arithmetic3A_697, %mul3A_699 : vector<16xi32>
    %and3A_701 = arith.constant 65535 : i32
    %and3A_702 = vector.broadcast %and3A_701 : i32 to vector<16xi32>
    %and3A_703 = arith.andi %get3A_694, %and3A_702 : vector<16xi32>
    %add3A_704 = arith.addi %mul3A_700, %and3A_703 : vector<16xi32>
    %swap3A_705 = arith.constant 3 : i32
    %swap3A_706 = arith.constant 0 : i32
    %swap3A_707 = tpu.memref_slice %arg6[%swap3A_705, %swap3A_706] : memref<4x128xi32, #tpu.memory_space<vmem>> -> memref<1x128xi32, #tpu.memory_space<vmem>>
    %swap3A_708 = tpu.memref_squeeze %swap3A_707 : memref<1x128xi32, #tpu.memory_space<vmem>> -> memref<128xi32, #tpu.memory_space<vmem>>
    %swap3A_709 = arith.constant 80 : index
    %swap3A_710 = tpu.vector_load %swap3A_708[%swap3A_709] {strides = array<i32>} : memref<128xi32, #tpu.memory_space<vmem>>, vector<16xi32>,
    %swap3A_711 = vector.shape_cast %swap3A_710 : vector<16xi32> to vector<16xi32>
    %swap3A_712 = vector.shape_cast %add3A_704 : vector<16xi32> to vector<16xi32>
    tpu.vector_store %swap3A_708[%swap3A_709], %swap3A_712 {strides = array<i32>} : memref<128xi32, #tpu.memory_space<vmem>>, vector<16xi32>,
    %get3A_713 = arith.constant 480 : index
    %get3A_714 = tpu.vector_load %arg5[%get3A_713] {strides = array<i32>} : memref<512xi32, #tpu.memory_space<vmem>>, vector<16xi32>,
    %get3A_715 = vector.shape_cast %get3A_714 : vector<16xi32> to vector<16xi32>
    %shift_right_arithmetic3A_716 = arith.constant 16 : i32
    %shift_right_arithmetic3A_717 = vector.broadcast %shift_right_arithmetic3A_716 : i32 to vector<16xi32>
    %shift_right_arithmetic3A_718 = arith.shrsi %get3A_715, %shift_right_arithmetic3A_717 : vector<16xi32>
    %mul3A_719 = arith.constant 1000 : i32
    %mul3A_720 = vector.broadcast %mul3A_719 : i32 to vector<16xi32>
    %mul3A_721 = arith.muli %shift_right_arithmetic3A_718, %mul3A_720 : vector<16xi32>
    %and3A_722 = arith.constant 65535 : i32
    %and3A_723 = vector.broadcast %and3A_722 : i32 to vector<16xi32>
    %and3A_724 = arith.andi %get3A_715, %and3A_723 : vector<16xi32>
    %add3A_725 = arith.addi %mul3A_721, %and3A_724 : vector<16xi32>
    %swap3A_726 = arith.constant 3 : i32
    %swap3A_727 = arith.constant 0 : i32
    %swap3A_728 = tpu.memref_slice %arg6[%swap3A_726, %swap3A_727] : memref<4x128xi32, #tpu.memory_space<vmem>> -> memref<1x128xi32, #tpu.memory_space<vmem>>
    %swap3A_729 = tpu.memref_squeeze %swap3A_728 : memref<1x128xi32, #tpu.memory_space<vmem>> -> memref<128xi32, #tpu.memory_space<vmem>>
    %swap3A_730 = arith.constant 96 : index
    %swap3A_731 = tpu.vector_load %swap3A_729[%swap3A_730] {strides = array<i32>} : memref<128xi32, #tpu.memory_space<vmem>>, vector<16xi32>,
    %swap3A_732 = vector.shape_cast %swap3A_731 : vector<16xi32> to vector<16xi32>
    %swap3A_733 = vector.shape_cast %add3A_725 : vector<16xi32> to vector<16xi32>
    tpu.vector_store %swap3A_729[%swap3A_730], %swap3A_733 {strides = array<i32>} : memref<128xi32, #tpu.memory_space<vmem>>, vector<16xi32>,
    %get3A_734 = arith.constant 496 : index
    %get3A_735 = tpu.vector_load %arg5[%get3A_734] {strides = array<i32>} : memref<512xi32, #tpu.memory_space<vmem>>, vector<16xi32>,
    %get3A_736 = vector.shape_cast %get3A_735 : vector<16xi32> to vector<16xi32>
    %shift_right_arithmetic3A_737 = arith.constant 16 : i32
    %shift_right_arithmetic3A_738 = vector.broadcast %shift_right_arithmetic3A_737 : i32 to vector<16xi32>
    %shift_right_arithmetic3A_739 = arith.shrsi %get3A_736, %shift_right_arithmetic3A_738 : vector<16xi32>
    %mul3A_740 = arith.constant 1000 : i32
    %mul3A_741 = vector.broadcast %mul3A_740 : i32 to vector<16xi32>
    %mul3A_742 = arith.muli %shift_right_arithmetic3A_739, %mul3A_741 : vector<16xi32>
    %and3A_743 = arith.constant 65535 : i32
    %and3A_744 = vector.broadcast %and3A_743 : i32 to vector<16xi32>
    %and3A_745 = arith.andi %get3A_736, %and3A_744 : vector<16xi32>
    %add3A_746 = arith.addi %mul3A_742, %and3A_745 : vector<16xi32>
    %swap3A_747 = arith.constant 3 : i32
    %swap3A_748 = arith.constant 0 : i32
    %swap3A_749 = tpu.memref_slice %arg6[%swap3A_747, %swap3A_748] : memref<4x128xi32, #tpu.memory_space<vmem>> -> memref<1x128xi32, #tpu.memory_space<vmem>>
    %swap3A_750 = tpu.memref_squeeze %swap3A_749 : memref<1x128xi32, #tpu.memory_space<vmem>> -> memref<128xi32, #tpu.memory_space<vmem>>
    %swap3A_751 = arith.constant 112 : index
    %swap3A_752 = tpu.vector_load %swap3A_750[%swap3A_751] {strides = array<i32>} : memref<128xi32, #tpu.memory_space<vmem>>, vector<16xi32>,
    %swap3A_753 = vector.shape_cast %swap3A_752 : vector<16xi32> to vector<16xi32>
    %swap3A_754 = vector.shape_cast %add3A_746 : vector<16xi32> to vector<16xi32>
    tpu.vector_store %swap3A_750[%swap3A_751], %swap3A_754 {strides = array<i32>} : memref<128xi32, #tpu.memory_space<vmem>>, vector<16xi32>,
    %dma_start3A_755 = arith.constant 3 : i32
    %dma_start3A_756 = arith.constant 3 : i32
    %dma_start3A_757 = arith.constant 0 : i32
    %dma_start3A_758 = tpu.memref_slice %arg7[%dma_start3A_756, %dma_start3A_757] : memref<4x128xf32, #tpu.memory_space<vmem>> -> memref<1x128xf32, #tpu.memory_space<vmem>>
    %dma_start3A_759 = tpu.memref_squeeze %dma_start3A_758 : memref<1x128xf32, #tpu.memory_space<vmem>> -> memref<128xf32, #tpu.memory_space<vmem>>
    %dma_start3A_760 = arith.constant 0 : i32
    %dma_start3A_761 = tpu.memref_slice %arg6[%dma_start3A_755, %dma_start3A_760] : memref<4x128xi32, #tpu.memory_space<vmem>> -> memref<1x128xi32, #tpu.memory_space<vmem>>
    %dma_start3A_762 = tpu.memref_squeeze %dma_start3A_761 : memref<1x128xi32, #tpu.memory_space<vmem>> -> memref<128xi32, #tpu.memory_space<vmem>>
    %dma_start3A_763 = arith.constant 0 : i32
    %dma_start3A_764 = tpu.memref_slice %arg3[%dma_start3A_763] : memref<1000000xf32, #tpu.memory_space<hbm>> -> memref<1000000xf32, #tpu.memory_space<hbm>>
    tpu.enqueue_indirect_dma source(%dma_start3A_764 : memref<1000000xf32, #tpu.memory_space<hbm>>) target(%dma_start3A_759 : memref<128xf32, #tpu.memory_space<vmem>>) offsets(%dma_start3A_762 : memref<128xi32, #tpu.memory_space<vmem>>) semaphore(%arg15 : memref<!tpu.dma_semaphore, #tpu.memory_space<semaphore_mem>>)
    %dma_wait3A_765 = arith.constant 0 : i32
    %dma_wait3A_766 = arith.constant 0 : i32
    %dma_wait3A_767 = arith.constant 0 : i32
    %dma_wait3A_768 = tpu.memref_slice %arg7[%dma_wait3A_766, %dma_wait3A_767] : memref<4x128xf32, #tpu.memory_space<vmem>> -> memref<1x128xf32, #tpu.memory_space<vmem>>
    %dma_wait3A_769 = tpu.memref_squeeze %dma_wait3A_768 : memref<1x128xf32, #tpu.memory_space<vmem>> -> memref<128xf32, #tpu.memory_space<vmem>>
    %dma_wait3A_770 = arith.constant 0 : i32
    %dma_wait3A_771 = tpu.memref_slice %arg6[%dma_wait3A_765, %dma_wait3A_770] : memref<4x128xi32, #tpu.memory_space<vmem>> -> memref<1x128xi32, #tpu.memory_space<vmem>>
    %dma_wait3A_772 = tpu.memref_squeeze %dma_wait3A_771 : memref<1x128xi32, #tpu.memory_space<vmem>> -> memref<128xi32, #tpu.memory_space<vmem>>
    %dma_wait3A_773 = arith.constant 0 : i32
    %dma_wait3A_774 = tpu.memref_slice %arg3[%dma_wait3A_773] : memref<1000000xf32, #tpu.memory_space<hbm>> -> memref<1000000xf32, #tpu.memory_space<hbm>>
    tpu.wait_indirect_dma semaphore(%arg12 : memref<!tpu.dma_semaphore, #tpu.memory_space<semaphore_mem>>) src(%dma_wait3A_774 : memref<1000000xf32, #tpu.memory_space<hbm>>) dst(%dma_wait3A_769 : memref<128xf32, #tpu.memory_space<vmem>>)
    %add3A_775 = arith.constant 0 : i32
    %add3A_776 = arith.addi %mul3A_2, %add3A_775 : i32
    %dma_start3A_777 = arith.constant 0 : i32
    %dma_start3A_778 = arith.constant 0 : i32
    %dma_start3A_779 = tpu.memref_slice %arg7[%dma_start3A_777, %dma_start3A_778] : memref<4x128xf32, #tpu.memory_space<vmem>> -> memref<1x128xf32, #tpu.memory_space<vmem>>
    %dma_start3A_780 = tpu.memref_squeeze %dma_start3A_779 : memref<1x128xf32, #tpu.memory_space<vmem>> -> memref<128xf32, #tpu.memory_space<vmem>>
    %dma_start3A_781 = tpu.memref_slice %arg4[%add3A_776] : memref<16384xf32, #tpu.memory_space<hbm>> -> memref<128xf32, #tpu.memory_space<hbm>>
    %dma_start3A_782 = tpu.memref_slice %arg4[%add3A_776] : memref<16384xf32, #tpu.memory_space<hbm>> -> memref<128xf32, #tpu.memory_space<hbm>>
    %dma_start3A_783 = arith.constant 0 : i32
    %dma_start3A_784 = tpu.memref_slice %arg7[%dma_start3A_777, %dma_start3A_783] : memref<4x128xf32, #tpu.memory_space<vmem>> -> memref<1x128xf32, #tpu.memory_space<vmem>>
    %dma_start3A_785 = tpu.memref_squeeze %dma_start3A_784 : memref<1x128xf32, #tpu.memory_space<vmem>> -> memref<128xf32, #tpu.memory_space<vmem>>
    tpu.enqueue_dma source(%dma_start3A_785 : memref<128xf32, #tpu.memory_space<vmem>>) target(%dma_start3A_782 : memref<128xf32, #tpu.memory_space<hbm>>) target_semaphore(%arg16 : memref<!tpu.dma_semaphore, #tpu.memory_space<semaphore_mem>>)
    %dma_wait3A_786 = arith.constant 1 : i32
    %dma_wait3A_787 = arith.constant 1 : i32
    %dma_wait3A_788 = arith.constant 0 : i32
    %dma_wait3A_789 = tpu.memref_slice %arg7[%dma_wait3A_787, %dma_wait3A_788] : memref<4x128xf32, #tpu.memory_space<vmem>> -> memref<1x128xf32, #tpu.memory_space<vmem>>
    %dma_wait3A_790 = tpu.memref_squeeze %dma_wait3A_789 : memref<1x128xf32, #tpu.memory_space<vmem>> -> memref<128xf32, #tpu.memory_space<vmem>>
    %dma_wait3A_791 = arith.constant 0 : i32
    %dma_wait3A_792 = tpu.memref_slice %arg6[%dma_wait3A_786, %dma_wait3A_791] : memref<4x128xi32, #tpu.memory_space<vmem>> -> memref<1x128xi32, #tpu.memory_space<vmem>>
    %dma_wait3A_793 = tpu.memref_squeeze %dma_wait3A_792 : memref<1x128xi32, #tpu.memory_space<vmem>> -> memref<128xi32, #tpu.memory_space<vmem>>
    %dma_wait3A_794 = arith.constant 0 : i32
    %dma_wait3A_795 = tpu.memref_slice %arg3[%dma_wait3A_794] : memref<1000000xf32, #tpu.memory_space<hbm>> -> memref<1000000xf32, #tpu.memory_space<hbm>>
    tpu.wait_indirect_dma semaphore(%arg13 : memref<!tpu.dma_semaphore, #tpu.memory_space<semaphore_mem>>) src(%dma_wait3A_795 : memref<1000000xf32, #tpu.memory_space<hbm>>) dst(%dma_wait3A_790 : memref<128xf32, #tpu.memory_space<vmem>>)
    %add3A_796 = arith.constant 128 : i32
    %add3A_797 = arith.addi %mul3A_2, %add3A_796 : i32
    %dma_start3A_798 = arith.constant 1 : i32
    %dma_start3A_799 = arith.constant 0 : i32
    %dma_start3A_800 = tpu.memref_slice %arg7[%dma_start3A_798, %dma_start3A_799] : memref<4x128xf32, #tpu.memory_space<vmem>> -> memref<1x128xf32, #tpu.memory_space<vmem>>
    %dma_start3A_801 = tpu.memref_squeeze %dma_start3A_800 : memref<1x128xf32, #tpu.memory_space<vmem>> -> memref<128xf32, #tpu.memory_space<vmem>>
    %dma_start3A_802 = tpu.memref_slice %arg4[%add3A_797] : memref<16384xf32, #tpu.memory_space<hbm>> -> memref<128xf32, #tpu.memory_space<hbm>>
    %dma_start3A_803 = tpu.memref_slice %arg4[%add3A_797] : memref<16384xf32, #tpu.memory_space<hbm>> -> memref<128xf32, #tpu.memory_space<hbm>>
    %dma_start3A_804 = arith.constant 0 : i32
    %dma_start3A_805 = tpu.memref_slice %arg7[%dma_start3A_798, %dma_start3A_804] : memref<4x128xf32, #tpu.memory_space<vmem>> -> memref<1x128xf32, #tpu.memory_space<vmem>>
    %dma_start3A_806 = tpu.memref_squeeze %dma_start3A_805 : memref<1x128xf32, #tpu.memory_space<vmem>> -> memref<128xf32, #tpu.memory_space<vmem>>
    tpu.enqueue_dma source(%dma_start3A_806 : memref<128xf32, #tpu.memory_space<vmem>>) target(%dma_start3A_803 : memref<128xf32, #tpu.memory_space<hbm>>) target_semaphore(%arg16 : memref<!tpu.dma_semaphore, #tpu.memory_space<semaphore_mem>>)
    %dma_wait3A_807 = arith.constant 2 : i32
    %dma_wait3A_808 = arith.constant 2 : i32
    %dma_wait3A_809 = arith.constant 0 : i32
    %dma_wait3A_810 = tpu.memref_slice %arg7[%dma_wait3A_808, %dma_wait3A_809] : memref<4x128xf32, #tpu.memory_space<vmem>> -> memref<1x128xf32, #tpu.memory_space<vmem>>
    %dma_wait3A_811 = tpu.memref_squeeze %dma_wait3A_810 : memref<1x128xf32, #tpu.memory_space<vmem>> -> memref<128xf32, #tpu.memory_space<vmem>>
    %dma_wait3A_812 = arith.constant 0 : i32
    %dma_wait3A_813 = tpu.memref_slice %arg6[%dma_wait3A_807, %dma_wait3A_812] : memref<4x128xi32, #tpu.memory_space<vmem>> -> memref<1x128xi32, #tpu.memory_space<vmem>>
    %dma_wait3A_814 = tpu.memref_squeeze %dma_wait3A_813 : memref<1x128xi32, #tpu.memory_space<vmem>> -> memref<128xi32, #tpu.memory_space<vmem>>
    %dma_wait3A_815 = arith.constant 0 : i32
    %dma_wait3A_816 = tpu.memref_slice %arg3[%dma_wait3A_815] : memref<1000000xf32, #tpu.memory_space<hbm>> -> memref<1000000xf32, #tpu.memory_space<hbm>>
    tpu.wait_indirect_dma semaphore(%arg14 : memref<!tpu.dma_semaphore, #tpu.memory_space<semaphore_mem>>) src(%dma_wait3A_816 : memref<1000000xf32, #tpu.memory_space<hbm>>) dst(%dma_wait3A_811 : memref<128xf32, #tpu.memory_space<vmem>>)
    %add3A_817 = arith.constant 256 : i32
    %add3A_818 = arith.addi %mul3A_2, %add3A_817 : i32
    %dma_start3A_819 = arith.constant 2 : i32
    %dma_start3A_820 = arith.constant 0 : i32
    %dma_start3A_821 = tpu.memref_slice %arg7[%dma_start3A_819, %dma_start3A_820] : memref<4x128xf32, #tpu.memory_space<vmem>> -> memref<1x128xf32, #tpu.memory_space<vmem>>
    %dma_start3A_822 = tpu.memref_squeeze %dma_start3A_821 : memref<1x128xf32, #tpu.memory_space<vmem>> -> memref<128xf32, #tpu.memory_space<vmem>>
    %dma_start3A_823 = tpu.memref_slice %arg4[%add3A_818] : memref<16384xf32, #tpu.memory_space<hbm>> -> memref<128xf32, #tpu.memory_space<hbm>>
    %dma_start3A_824 = tpu.memref_slice %arg4[%add3A_818] : memref<16384xf32, #tpu.memory_space<hbm>> -> memref<128xf32, #tpu.memory_space<hbm>>
    %dma_start3A_825 = arith.constant 0 : i32
    %dma_start3A_826 = tpu.memref_slice %arg7[%dma_start3A_819, %dma_start3A_825] : memref<4x128xf32, #tpu.memory_space<vmem>> -> memref<1x128xf32, #tpu.memory_space<vmem>>
    %dma_start3A_827 = tpu.memref_squeeze %dma_start3A_826 : memref<1x128xf32, #tpu.memory_space<vmem>> -> memref<128xf32, #tpu.memory_space<vmem>>
    tpu.enqueue_dma source(%dma_start3A_827 : memref<128xf32, #tpu.memory_space<vmem>>) target(%dma_start3A_824 : memref<128xf32, #tpu.memory_space<hbm>>) target_semaphore(%arg16 : memref<!tpu.dma_semaphore, #tpu.memory_space<semaphore_mem>>)
    %dma_wait3A_828 = arith.constant 3 : i32
    %dma_wait3A_829 = arith.constant 3 : i32
    %dma_wait3A_830 = arith.constant 0 : i32
    %dma_wait3A_831 = tpu.memref_slice %arg7[%dma_wait3A_829, %dma_wait3A_830] : memref<4x128xf32, #tpu.memory_space<vmem>> -> memref<1x128xf32, #tpu.memory_space<vmem>>
    %dma_wait3A_832 = tpu.memref_squeeze %dma_wait3A_831 : memref<1x128xf32, #tpu.memory_space<vmem>> -> memref<128xf32, #tpu.memory_space<vmem>>
    %dma_wait3A_833 = arith.constant 0 : i32
    %dma_wait3A_834 = tpu.memref_slice %arg6[%dma_wait3A_828, %dma_wait3A_833] : memref<4x128xi32, #tpu.memory_space<vmem>> -> memref<1x128xi32, #tpu.memory_space<vmem>>
    %dma_wait3A_835 = tpu.memref_squeeze %dma_wait3A_834 : memref<1x128xi32, #tpu.memory_space<vmem>> -> memref<128xi32, #tpu.memory_space<vmem>>
    %dma_wait3A_836 = arith.constant 0 : i32
    %dma_wait3A_837 = tpu.memref_slice %arg3[%dma_wait3A_836] : memref<1000000xf32, #tpu.memory_space<hbm>> -> memref<1000000xf32, #tpu.memory_space<hbm>>
    tpu.wait_indirect_dma semaphore(%arg15 : memref<!tpu.dma_semaphore, #tpu.memory_space<semaphore_mem>>) src(%dma_wait3A_837 : memref<1000000xf32, #tpu.memory_space<hbm>>) dst(%dma_wait3A_832 : memref<128xf32, #tpu.memory_space<vmem>>)
    %add3A_838 = arith.constant 384 : i32
    %add3A_839 = arith.addi %mul3A_2, %add3A_838 : i32
    %dma_start3A_840 = arith.constant 3 : i32
    %dma_start3A_841 = arith.constant 0 : i32
    %dma_start3A_842 = tpu.memref_slice %arg7[%dma_start3A_840, %dma_start3A_841] : memref<4x128xf32, #tpu.memory_space<vmem>> -> memref<1x128xf32, #tpu.memory_space<vmem>>
    %dma_start3A_843 = tpu.memref_squeeze %dma_start3A_842 : memref<1x128xf32, #tpu.memory_space<vmem>> -> memref<128xf32, #tpu.memory_space<vmem>>
    %dma_start3A_844 = tpu.memref_slice %arg4[%add3A_839] : memref<16384xf32, #tpu.memory_space<hbm>> -> memref<128xf32, #tpu.memory_space<hbm>>
    %dma_start3A_845 = tpu.memref_slice %arg4[%add3A_839] : memref<16384xf32, #tpu.memory_space<hbm>> -> memref<128xf32, #tpu.memory_space<hbm>>
    %dma_start3A_846 = arith.constant 0 : i32
    %dma_start3A_847 = tpu.memref_slice %arg7[%dma_start3A_840, %dma_start3A_846] : memref<4x128xf32, #tpu.memory_space<vmem>> -> memref<1x128xf32, #tpu.memory_space<vmem>>
    %dma_start3A_848 = tpu.memref_squeeze %dma_start3A_847 : memref<1x128xf32, #tpu.memory_space<vmem>> -> memref<128xf32, #tpu.memory_space<vmem>>
    tpu.enqueue_dma source(%dma_start3A_848 : memref<128xf32, #tpu.memory_space<vmem>>) target(%dma_start3A_845 : memref<128xf32, #tpu.memory_space<hbm>>) target_semaphore(%arg16 : memref<!tpu.dma_semaphore, #tpu.memory_space<semaphore_mem>>)
    %dma_wait3A_849 = arith.constant 0 : i32
    %dma_wait3A_850 = arith.constant 0 : i32
    %dma_wait3A_851 = tpu.memref_slice %arg7[%dma_wait3A_849, %dma_wait3A_850] : memref<4x128xf32, #tpu.memory_space<vmem>> -> memref<1x128xf32, #tpu.memory_space<vmem>>
    %dma_wait3A_852 = tpu.memref_squeeze %dma_wait3A_851 : memref<1x128xf32, #tpu.memory_space<vmem>> -> memref<128xf32, #tpu.memory_space<vmem>>
    %dma_wait3A_853 = tpu.memref_slice %arg4[%add3A_776] : memref<16384xf32, #tpu.memory_space<hbm>> -> memref<128xf32, #tpu.memory_space<hbm>>
    %dma_wait3A_854 = tpu.memref_slice %arg4[%add3A_776] : memref<16384xf32, #tpu.memory_space<hbm>> -> memref<128xf32, #tpu.memory_space<hbm>>
    %dma_wait3A_855 = arith.constant 0 : i32
    %dma_wait3A_856 = tpu.memref_slice %arg7[%dma_wait3A_849, %dma_wait3A_855] : memref<4x128xf32, #tpu.memory_space<vmem>> -> memref<1x128xf32, #tpu.memory_space<vmem>>
    %dma_wait3A_857 = tpu.memref_squeeze %dma_wait3A_856 : memref<1x128xf32, #tpu.memory_space<vmem>> -> memref<128xf32, #tpu.memory_space<vmem>>
    tpu.wait_dma2 semaphore(%arg16 : memref<!tpu.dma_semaphore, #tpu.memory_space<semaphore_mem>>) src(%dma_wait3A_857 : memref<128xf32, #tpu.memory_space<vmem>>) dst(%dma_wait3A_854 : memref<128xf32, #tpu.memory_space<hbm>>)
    %dma_wait3A_858 = arith.constant 1 : i32
    %dma_wait3A_859 = arith.constant 0 : i32
    %dma_wait3A_860 = tpu.memref_slice %arg7[%dma_wait3A_858, %dma_wait3A_859] : memref<4x128xf32, #tpu.memory_space<vmem>> -> memref<1x128xf32, #tpu.memory_space<vmem>>
    %dma_wait3A_861 = tpu.memref_squeeze %dma_wait3A_860 : memref<1x128xf32, #tpu.memory_space<vmem>> -> memref<128xf32, #tpu.memory_space<vmem>>
    %dma_wait3A_862 = tpu.memref_slice %arg4[%add3A_797] : memref<16384xf32, #tpu.memory_space<hbm>> -> memref<128xf32, #tpu.memory_space<hbm>>
    %dma_wait3A_863 = tpu.memref_slice %arg4[%add3A_797] : memref<16384xf32, #tpu.memory_space<hbm>> -> memref<128xf32, #tpu.memory_space<hbm>>
    %dma_wait3A_864 = arith.constant 0 : i32
    %dma_wait3A_865 = tpu.memref_slice %arg7[%dma_wait3A_858, %dma_wait3A_864] : memref<4x128xf32, #tpu.memory_space<vmem>> -> memref<1x128xf32, #tpu.memory_space<vmem>>
    %dma_wait3A_866 = tpu.memref_squeeze %dma_wait3A_865 : memref<1x128xf32, #tpu.memory_space<vmem>> -> memref<128xf32, #tpu.memory_space<vmem>>
    tpu.wait_dma2 semaphore(%arg16 : memref<!tpu.dma_semaphore, #tpu.memory_space<semaphore_mem>>) src(%dma_wait3A_866 : memref<128xf32, #tpu.memory_space<vmem>>) dst(%dma_wait3A_863 : memref<128xf32, #tpu.memory_space<hbm>>)
    %dma_wait3A_867 = arith.constant 2 : i32
    %dma_wait3A_868 = arith.constant 0 : i32
    %dma_wait3A_869 = tpu.memref_slice %arg7[%dma_wait3A_867, %dma_wait3A_868] : memref<4x128xf32, #tpu.memory_space<vmem>> -> memref<1x128xf32, #tpu.memory_space<vmem>>
    %dma_wait3A_870 = tpu.memref_squeeze %dma_wait3A_869 : memref<1x128xf32, #tpu.memory_space<vmem>> -> memref<128xf32, #tpu.memory_space<vmem>>
    %dma_wait3A_871 = tpu.memref_slice %arg4[%add3A_818] : memref<16384xf32, #tpu.memory_space<hbm>> -> memref<128xf32, #tpu.memory_space<hbm>>
    %dma_wait3A_872 = tpu.memref_slice %arg4[%add3A_818] : memref<16384xf32, #tpu.memory_space<hbm>> -> memref<128xf32, #tpu.memory_space<hbm>>
    %dma_wait3A_873 = arith.constant 0 : i32
    %dma_wait3A_874 = tpu.memref_slice %arg7[%dma_wait3A_867, %dma_wait3A_873] : memref<4x128xf32, #tpu.memory_space<vmem>> -> memref<1x128xf32, #tpu.memory_space<vmem>>
    %dma_wait3A_875 = tpu.memref_squeeze %dma_wait3A_874 : memref<1x128xf32, #tpu.memory_space<vmem>> -> memref<128xf32, #tpu.memory_space<vmem>>
    tpu.wait_dma2 semaphore(%arg16 : memref<!tpu.dma_semaphore, #tpu.memory_space<semaphore_mem>>) src(%dma_wait3A_875 : memref<128xf32, #tpu.memory_space<vmem>>) dst(%dma_wait3A_872 : memref<128xf32, #tpu.memory_space<hbm>>)
    %dma_wait3A_876 = arith.constant 3 : i32
    %dma_wait3A_877 = arith.constant 0 : i32
    %dma_wait3A_878 = tpu.memref_slice %arg7[%dma_wait3A_876, %dma_wait3A_877] : memref<4x128xf32, #tpu.memory_space<vmem>> -> memref<1x128xf32, #tpu.memory_space<vmem>>
    %dma_wait3A_879 = tpu.memref_squeeze %dma_wait3A_878 : memref<1x128xf32, #tpu.memory_space<vmem>> -> memref<128xf32, #tpu.memory_space<vmem>>
    %dma_wait3A_880 = tpu.memref_slice %arg4[%add3A_839] : memref<16384xf32, #tpu.memory_space<hbm>> -> memref<128xf32, #tpu.memory_space<hbm>>
    %dma_wait3A_881 = tpu.memref_slice %arg4[%add3A_839] : memref<16384xf32, #tpu.memory_space<hbm>> -> memref<128xf32, #tpu.memory_space<hbm>>
    %dma_wait3A_882 = arith.constant 0 : i32
    %dma_wait3A_883 = tpu.memref_slice %arg7[%dma_wait3A_876, %dma_wait3A_882] : memref<4x128xf32, #tpu.memory_space<vmem>> -> memref<1x128xf32, #tpu.memory_space<vmem>>
    %dma_wait3A_884 = tpu.memref_squeeze %dma_wait3A_883 : memref<1x128xf32, #tpu.memory_space<vmem>> -> memref<128xf32, #tpu.memory_space<vmem>>
    tpu.wait_dma2 semaphore(%arg16 : memref<!tpu.dma_semaphore, #tpu.memory_space<semaphore_mem>>) src(%dma_wait3A_884 : memref<128xf32, #tpu.memory_space<vmem>>) dst(%dma_wait3A_881 : memref<128xf32, #tpu.memory_space<hbm>>)
    return
  }
}

</mosaic_0001>

<sc_bundles>
// kernel: kernel.3.cloned.1.call-start
scs
__scs_entry_jumppad:
0x0: {  	(pc) =	sbr.rel $0x88, $3  }
0x1: {  	(tag) =	ssettag $0x0;
	lr =	simm.s32 $0x1  }
0x2: {  	[smem:$0x3F9F] =	sst lr;
	_ =	strace $0xD0000000  }
0x3: {  	_ = 	snop  }
0x4: {  	_ = 	snop  }
0x5: {  	_ = 	snop  }
0x6: {  	_ = 	snop  }
0x7: {  	_ = 	snop  }
__scs_overlays_trampoline_lowered:
0x8: {  	[smem:$0x3FAE] =	sst s0  }
0x9: {  	[smem:$0x3FAF] =	sst s1  }
0xa: {  	[smem:$0x3FB0] =	sst s2  }
0xb: {  	[smem:$0x3FB1] =	sst s3  }
0xc: {  	[smem:$0x3FB2] =	sst s4  }
0xd: {  	[smem:$0x3FB3] =	sst s5  }
0xe: {  	[smem:$0x3FB4] =	sst s6  }
0xf: {  	[smem:$0x3FB5] =	sst s7  }
0x10: {  	[smem:$0x3FB6] =	sst s8  }
0x11: {  	[smem:$0x3FB7] =	sst s9;
	s0 =	simm.s32 @!p0 $0x0  }
0x12: {  	s1 =	sld [smem:$0x3F9D];
	s0 =	simm.s32 @p0 $0x1  }
0x13: {  	[smem:$0x3FB8] =	sst s0;
	s0 =	simm.s32 @!p1 $0x0  }
0x14: {  	s2 =	sld [smem:$0x3F9C];
	s0 =	simm.s32 @p1 $0x1  }
0x15: {  	[smem:$0x3FB9] =	sst s0;
	s0 =	simm.s32 @!p2 $0x0  }
0x16: {  	s3 =	sld [smem:$0x3FDB];
	s0 =	simm.s32 @p2 $0x1  }
0x17: {  	s4 =	simm.s32 $0x1BF5;
	[smem:$0x3FBB] =	sst s0  }
0x18: {  	s0 =	sld [smem:$0x3F9E];
	_ =	swait.ge [sflag:s4], $0x0  }
0x19: {  	s7 =	sld [smem:$0x3F9F]  }
0x1a: {  	s8 =	sadd.s32 $0xFFFFE003, lr  }
0x1b: {  	s9 =	sadd.s32 $0xFFFFFEF7, lr;
	s5 =	simm.s32 $0xFFFFFFFF;
	p2 =	slt.u32 s8, $0xFFFFF086  }
0x1c: {  	p1 =	slt.u32 s9, $0xF7A;
	s5 =	simm.s32 @!p2 $0x0  }
0x1d: {  	s5 =	simm.s32 @p1 $0x1;
	p0 =	seq.s32 s7, s2  }
0x1e: {  	s7 =	smul.u32 @!p0 $0xF7A, s2;
	p2 =	seq.s32 @!p0 s5, $0x0  }
0x1f: {  	s9 =	smul.u32 $0xF7A, s1;
	s8 =	simm.s32 @!p0 $0x1BF5;
	p2 =	por !p2, p0  }
0x20: {  	[sflag:s8] =	ssyncset.s32 @!p0 $0xFFFFF086;
	s6 =	sadd.s32 @!p0 s3, s7;
	s7 =	simm.s32 @!p0 $0x108  }
0x21: {  	s3 =	sadd.s32 s3, s9;
	s6 =	sadd.s32 @!p0 $0x88, s6;
	s7 =	simm.s32 @p2 $0x1082  }
0x22: {  	[simem:s7], [sflag:s8] =	dma.local @!p0 [hbm:s6], $0xF7A  }
0x23: {  	s9 =	sor.u32 $0xD0000000, s2;
	s6 =	simm.s32 $0x108;
	_ =	swait.ge @!p0 [sflag:s8], $0x0  }
0x24: {  	s3 =	sadd.s32 $0x88, s3;
	s6 =	simm.s32 @!p1 $0x1082;
	[sflag:s4] =	ssyncset.s32 $0xFFFFF086  }
0x25: {  	[simem:s6], [sflag:s4] =	dma.local [hbm:s3], $0xF7A  }
0x26: {  	[smem:$0x3F9F] =	sst s1;
	(tag) =	ssettag s2;
	_ =	strace s9  }
0x27: {  	s1 =	sld [smem:$0x3FAF]  }
0x28: {  	s2 =	sld [smem:$0x3FB0]  }
0x29: {  	s4 =	sld [smem:$0x3FB2]  }
0x2a: {  	p0 =	seq.s32 s5, $0x0;
	s5 =	sld [smem:$0x3FB3]  }
0x2b: {  	s6 =	sld [smem:$0x3FB4]  }
0x2c: {  	s7 =	sld [smem:$0x3FB5]  }
0x2d: {  	s3 =	simm.s32 $0x108;
	s8 =	sld [smem:$0x3FB6]  }
0x2e: {  	s3 =	simm.s32 @!p0 $0x1082;
	s9 =	sld [smem:$0x3FB7]  }
0x2f: {  	lr =	sadd.s32 s0, s3;
	s0 =	sld [smem:$0x3FAE]  }
0x30: {  	s3 =	sld [smem:$0x3FB1]  }
0x31: {  	[smem:$0x3FBA] =	sst s10  }
0x32: {  	s10 =	sld [smem:$0x3FB8];
	_ =	sdelay $0x3  }
0x33: {  	p0 =	seq.s32 s10, $0x1;
	s10 =	sld [smem:$0x3FBA];
	_ =	sdelay $0x3  }
0x34: {  	[smem:$0x3FBA] =	sst s10  }
0x35: {  	s10 =	sld [smem:$0x3FB9];
	_ =	sdelay $0x3  }
0x36: {  	p1 =	seq.s32 s10, $0x1;
	s10 =	sld [smem:$0x3FBA];
	_ =	sdelay $0x3  }
0x37: {  	[smem:$0x3FBA] =	sst s10  }
0x38: {  	s10 =	sld [smem:$0x3FBB]  }
0x39: {  	_ = 	snop;
	(pc) =	sbr.ind lr, $3  }
0x3a: {  	_ = 	snop  }
0x3b: {  	_ = 	snop  }
0x3c: {  	p2 =	seq.s32 s10, $0x1;
	s10 =	sld [smem:$0x3FBA]  }
0x3d: {  	_ =	shalt  }
0x3e: {  	_ =	shalt  }
0x3f: {  	_ =	shalt  }
0x40: {  	_ =	shalt  }
0x41: {  	_ =	shalt  }
0x42: {  	_ =	shalt  }
0x43: {  	_ =	shalt  }
0x44: {  	_ =	shalt  }
0x45: {  	_ =	shalt  }
0x46: {  	_ =	shalt  }
0x47: {  	_ =	shalt  }
0x48: {  	_ =	shalt  }
0x49: {  	_ =	shalt  }
0x4a: {  	_ =	shalt  }
0x4b: {  	_ =	shalt  }
0x4c: {  	_ =	shalt  }
0x4d: {  	_ =	shalt  }
0x4e: {  	_ =	shalt  }
0x4f: {  	_ =	shalt  }
0x50: {  	_ =	shalt  }
0x51: {  	_ =	shalt  }
0x52: {  	_ =	shalt  }
0x53: {  	_ =	shalt  }
0x54: {  	_ =	shalt  }
0x55: {  	_ =	shalt  }
0x56: {  	_ =	shalt  }
0x57: {  	_ =	shalt  }
0x58: {  	_ =	shalt  }
0x59: {  	_ =	shalt  }
0x5a: {  	_ =	shalt  }
0x5b: {  	_ =	shalt  }
0x5c: {  	_ =	shalt  }
0x5d: {  	_ =	shalt  }
0x5e: {  	_ =	shalt  }
0x5f: {  	_ =	shalt  }
0x60: {  	_ =	shalt  }
0x61: {  	_ =	shalt  }
0x62: {  	_ =	shalt  }
0x63: {  	_ =	shalt  }
0x64: {  	_ =	shalt  }
0x65: {  	_ =	shalt  }
0x66: {  	_ =	shalt  }
0x67: {  	_ =	shalt  }
0x68: {  	_ =	shalt  }
0x69: {  	_ =	shalt  }
0x6a: {  	_ =	shalt  }
0x6b: {  	_ =	shalt  }
0x6c: {  	_ =	shalt  }
0x6d: {  	_ =	shalt  }
0x6e: {  	_ =	shalt  }
0x6f: {  	_ =	shalt  }
0x70: {  	_ =	shalt  }
0x71: {  	_ =	shalt  }
0x72: {  	_ =	shalt  }
0x73: {  	_ =	shalt  }
0x74: {  	_ =	shalt  }
0x75: {  	_ =	shalt  }
0x76: {  	_ =	shalt  }
0x77: {  	_ =	shalt  }
0x78: {  	_ =	shalt  }
0x79: {  	_ =	shalt  }
0x7a: {  	_ =	shalt  }
0x7b: {  	_ =	shalt  }
0x7c: {  	_ =	shalt  }
0x7d: {  	_ =	shalt  }
0x7e: {  	_ =	shalt  }
0x7f: {  	_ =	shalt  }
0x80: {  	_ =	shalt  }
0x81: {  	_ =	shalt  }
0x82: {  	_ =	shalt  }
0x83: {  	_ =	shalt  }
0x84: {  	_ =	shalt  }
0x85: {  	_ =	shalt  }
0x86: {  	_ =	shalt  }
0x87: {  	_ =	shalt  }
.Lfunc_end0:
.L_simem_size_0:
called_computation_lowered:
.L_overlay_start_0:
0x88: {  	s2 =	sld [smem:$0x3FD9]  }
0x89: {  	s3 =	sld [smem:$0x3FFE];
	_ =	sdelay $0x1  }
0x8a: {  	s1 =	srdreg.scid  }
0x8b: {  	s0 =	sand.u32 $0x1, s1  }
0x8c: {  	s17 =	sshll.u32 s0, $0xA;
	s2 =	sadd.s32 s3, s2  }
0x8d: {  	s2 =	sadd.s32 s2, s17  }
0x8e: {  	[smem:$0x3FC6] =	sst s2  }
0x8f: {  	_ = 	snop  }
0x90: {  	s2 =	sld [smem:$0x3FC8]  }
0x91: {  	s18 =	sld [smem:$0x3FD0];
	(tm) =	ssettm $0x1  }
0x92: {  	s4 =	sld [smem:$0x3FFB];
	_ =	sdelay $0x3  }
0x93: {  	_ =	strace s4  }
0x94: {  	s4 =	sld [smem:$0x3FFC];
	_ =	sdelay $0x3  }
0x95: {  	_ =	strace s4  }
0x96: {  	s4 =	sld [smem:$0x3FFD];
	_ =	sdelay $0x3  }
0x97: {  	_ =	strace s4  }
0x98: {  	_ =	strace $0x8FFFFFFF  }
0x99: {  	s19 =	sld [smem:$0x3FDB];
	_ =	sdelay $0x1  }
0x9a: {  	s5 =	simm.s32 $_scs_section_size  }
0x9b: {  	s6 =	simm.s32 $_size__tile_overlayer_lowered;
	s7 =	simm.s32 $_tile_overlayer_lowered  }
0x9c: {  	s22 =	simm.s32 $0x1BFF;
	s21 =	sshll.u32 s7, $0x1;
	s4 =	sadd.s32 s5, s19  }
0x9d: {  	s8 =	simm.s32 $0x0;
	s20 =	sshll.u32 s6, $0x1;
	s6 =	sadd.s32 s21, s4  }
0x9e: {  	[timem:s8], [sflag:s22] =	dma.local [hbm:s6], s20  }
0x9f: {  	_ =	swait.ge [sflag:s22], s20  }
0xa0: {  	s5 =	ssub.s32 $0x0, s20;
	[sflag:s22] =	ssyncset.done $0x0  }
0xa1: {  	[sflag:s22] =	ssyncadd.s32 s5;
	_ =	sdelay $0x1  }
0xa2: {  	s23 =	simm.s32 $0x1B8B  }
0xa3: {  	_ =	swait.ge [sflag:s23], $0x1  }
0xa4: {  	[sflag:s23] =	ssyncset.done $0x0  }
0xa5: {  	s25 =	simm.s32 $0x1B8E;
	s24 =	sld [smem:$0x3FFE];
	[sflag:s23] =	ssyncadd.s32 $0xFFFFFFFF  }
0xa6: {  	s26 =	simm.s32 $execute0_lowered;
	[smem:$0x3FD2] =	sst s25  }
0xa7: {  	s6 =	sshll.u32 s26, $0x1;
	_ =	strace $0x80000046;
	[dreg:$0x1] =	wrdreg $0xFFFFFFFF  }
0xa8: {  	s28 =	simm.s32 $_size_execute0_lowered;
	s4 =	sadd.s32 s4, s6;
	[dreg:$0x0] =	wrdreg $0x0  }
0xa9: {  	s6 =	sshll.u32 s28, $0x1;
	[dreg:$0x2] =	wrdreg s4  }
0xaa: {  	[dreg:$0x3] =	wrdreg s6  }
0xab: {  	[dreg:$0x4] =	wrdreg $0xC0  }
0xac: {  	_ =	task [dreg:s8], $0x5FFFF  }
0xad: {  	[dreg:$0x1] =	wrdreg $0xFFFFFFFF  }
0xae: {  	[dreg:$0x0] =	wrdreg $0x60  }
0xaf: {  	[dreg:$0x2] =	wrdreg s24  }
0xb0: {  	[dreg:$0x3] =	wrdreg s2  }
0xb1: {  	[dreg:$0x4] =	wrdreg s18  }
0xb2: {  	[dreg:$0x5] =	wrdreg $0x9  }
0xb3: {  	_ =	task.clear_ibuf [dreg:s8], $0x6FFFF;
	_ =	strace $0x90000046  }
0xb4: {  	s29 =	simm.s32 $0x9;
	_ =	strace $0x80000048  }
0xb5: {  	_ =	swait.ge [sflag:s29], $0x1  }
0xb6: {  	[sflag:s29] =	ssyncadd.s32 $0xFFFFFFFF  }
0xb7: {  	_ =	strace $0x90000048  }
0xb8: {  	_ =	sfence  }
0xb9: {  	s30 =	sld [smem:$0x0];
	_ =	sdelay $0x2  }
0xba: {  	s31 =	sshll.u32 s1, $0xD;
	s1 =	sshrl.u32 s1, $0x2  }
0xbb: {  	s3 =	sand.u32 $0x4000, s31;
	s1 =	sadd.s32 s1, s30  }
0xbc: {  	s0 =	sor.u32 s3, s0;
	s1 =	sshll.u32 s1, $0x11  }
0xbd: {  	s0 =	sor.u32 s1, s0  }
0xbe: {  	s0 =	sadd.s32 $0x8F2B, s0  }
0xbf: {  	[sflag:s0] =	ssyncadd.remote.s32 $0x1  }
0xc0: {  	_ =	sfence.sel $0xFFFF  }
0xc1: {  	[dreg:$0x0] =	wrdreg $0xFFFFFFFF;
	(pc) =	sbr.abs _section_cstart, $3  }
0xc2: {  	[dreg:$0x1] =	wrdreg $0xFFFFFFFF  }
0xc3: {  	_ =	task.clear_ibuf [dreg:s8], $0x2FFFF;
	_ =	strace $0x9FFFFFFF  }
0xc4: {  	(tm) =	ssettm $0x7FFFFFFF  }
0xc5: {  	_ =	shalt  }
tec
execute0_lowered:
.L_overlay_start_1:
0x0: {  	(tag) =	ssettag $0x1  }
0x1: {  	s4 =	rddreg [dreg:$0x0];
	s2 =	srdreg.scid  }
0x2: {  	s3 =	rddreg [dreg:$0x1];
	s1 =	stileid.u32;
	s18 =	sand.u32 $0x1, s2  }
0x3: {  	s0 =	rddreg [dreg:$0x2];
	s5 =	sshll.u32 s1, $0x7;
	s6 =	sshll.u32 s18, $0x6  }
0x4: {  	s2 =	simm.s32 $0x0;
	s8 =	sadd.s32 $0x400, s4;
	s19 =	sor.u32 s6, s5  }
0x5: {  	[smem:$0x7FF] =	sst s2;
	s4 =	sadd.s32 s8, s19  }
0x6: {  	_ =	strace $0x80000047;
	[dreg:$0x4] =	wrdreg s4  }
0x7: {  	s20 =	sor.u32 $0x10, s19;
	s4 =	rddreg [dreg:$0x4]  }
0x8: {  	[tilespmem:s2], [sflag:$0x1] =	stream.linear.gather [hbm4b:s4+s2], $0x80, $0x38;
	[tilespmem:$0x600] =	vst v63  }
0x9: {  	s22 =	sor.u32 $0x20, s19;
	s5 =	sadd.s32 s8, s20;
	s4 =	simm.s32 $0x80  }
0xa: {  	[tilespmem:s4], [sflag:$0x2] =	stream.linear.gather [hbm4b:s5+s2], $0x80, $0x38;
	[tilespmem:$0x600] =	vst v63  }
0xb: {  	s7 =	simm.s32 $0x100;
	s23 =	sor.u32 $0x30, s19;
	s6 =	sadd.s32 s8, s22  }
0xc: {  	[tilespmem:s7], [sflag:$0x3] =	stream.linear.gather [hbm4b:s6+s2], $0x80, $0x38;
	[tilespmem:$0x600] =	vst v63  }
0xd: {  	s9 =	simm.s32 $0x180;
	s10 =	simm.s32 $0x1;
	s8 =	sadd.s32 s8, s23  }
0xe: {  	[tilespmem:s9], [sflag:$0x4] =	stream.linear.gather [hbm4b:s8+s2], $0x80, $0x38;
	[tilespmem:$0x600] =	vst v63  }
0xf: {  	_ =	swait.ge [sflag:s10], $0x80  }
0x10: {  	[sflag:s10] =	ssyncset.done $0x0  }
0x11: {  	[sflag:s10] =	ssyncadd.s32 $0xFFFFFF80  }
0x12: {  	v0 =	vld [tilespmem:$0x70]  }
0x13: {  	v1 =	vld [tilespmem:$0x60]  }
0x14: {  	v2 =	vld [tilespmem:$0x20]  }
0x15: {  	v3 =	vld [tilespmem:$0x50]  }
0x16: {  	v4 =	vld [tilespmem:$0x30];
	_ =	sdelay $0x2  }
0x17: {  	v5 =	vld [tilespmem:$0x10];
	v6 =	vshra.s32 v0, $0x10;
	v8 =	vshra.s32 v1, $0x10;
	v0 =	vand.u32 $0xFFFF, v0  }
0x18: {  	v7 =	vld [tilespmem:$0x0];
	v1 =	vand.u32 $0xFFFF, v1;
	v9 =	vshra.s32 v3, $0x10;
	v6 =	vmul.u32 $0x3E8, v6  }
0x19: {  	v10 =	vshra.s32 v4, $0x10;
	v11 =	vshra.s32 v2, $0x10;
	v8 =	vmul.u32 $0x3E8, v8  }
0x1a: {  	v3 =	vand.u32 $0xFFFF, v3;
	v11 =	vmul.u32 $0x3E8, v11;
	v0 =	vadd.s32 v0, v6;
	v6 =	vld [tilespmem:$0x40]  }
0x1b: {  	v2 =	vand.u32 $0xFFFF, v2;
	v9 =	vmul.u32 $0x3E8, v9;
	v1 =	vadd.s32 v1, v8;
	[tilespmem:$0x270] =	vst v0  }
0x1c: {  	v8 =	vand.u32 $0xFFFF, v5;
	v2 =	vadd.s32 v2, v11;
	v0 =	vshra.s32 v5, $0x10;
	[tilespmem:$0x260] =	vst v1  }
0x1d: {  	v5 =	vshra.s32 v7, $0x10;
	v1 =	vadd.s32 v3, v9;
	v3 =	vmul.u32 $0x3E8, v10;
	[tilespmem:$0x220] =	vst v2  }
0x1e: {  	v2 =	vand.u32 $0xFFFF, v4;
	v0 =	vmul.u32 $0x3E8, v0;
	[tilespmem:$0x250] =	vst v1;
	v1 =	vmul.u32 $0x3E8, v5  }
0x1f: {  	v5 =	vand.u32 $0xFFFF, v7;
	v2 =	vadd.s32 v2, v3;
	v7 =	vshra.s32 v6, $0x10  }
0x20: {  	v0 =	vadd.s32 v8, v0;
	[tilespmem:$0x230] =	vst v2;
	v4 =	vmul.u32 $0x3E8, v7  }
0x21: {  	v1 =	vadd.s32 v5, v1;
	[tilespmem:$0x210] =	vst v0;
	v0 =	vand.u32 $0xFFFF, v6  }
0x22: {  	[tilespmem:$0x200] =	vst v1;
	v0 =	vadd.s32 v0, v4  }
0x23: {  	s12 =	simm.s32 $0x200;
	s11 =	simm.s32 $0x400;
	s13 =	simm.s32 $0x2;
	[tilespmem:$0x240] =	vst v0  }
0x24: {  	[tilespmem:s11], [sflag:$0x5] =	stream.indirect.gather [hbm4b:s3+s4], $0x1, s12, s4, $0xb8;
	[tilespmem:$0x600] =	vst v63  }
0x25: {  	_ =	swait.ge [sflag:s13], $0x80  }
0x26: {  	[sflag:s13] =	ssyncset.done $0x0  }
0x27: {  	[sflag:s13] =	ssyncadd.s32 $0xFFFFFF80  }
0x28: {  	v0 =	vld [tilespmem:$0x80]  }
0x29: {  	v1 =	vld [tilespmem:$0x90]  }
0x2a: {  	v2 =	vld [tilespmem:$0xA0]  }
0x2b: {  	v3 =	vld [tilespmem:$0xB0]  }
0x2c: {  	v4 =	vld [tilespmem:$0xC0]  }
0x2d: {  	v5 =	vld [tilespmem:$0xD0];
	_ =	sdelay $0x1  }
0x2e: {  	v6 =	vshra.s32 v0, $0x10;
	v7 =	vshra.s32 v1, $0x10  }
0x2f: {  	v0 =	vand.u32 $0xFFFF, v0;
	v8 =	vshra.s32 v2, $0x10;
	v2 =	vand.u32 $0xFFFF, v2  }
0x30: {  	v9 =	vld [tilespmem:$0xF0];
	v1 =	vand.u32 $0xFFFF, v1;
	v11 =	vshra.s32 v3, $0x10;
	v7 =	vmul.u32 $0x3E8, v7  }
0x31: {  	v10 =	vld [tilespmem:$0xE0];
	v12 =	vshra.s32 v4, $0x10;
	v61 =	vshra.s32 v5, $0x10;
	v8 =	vmul.u32 $0x3E8, v8  }
0x32: {  	v3 =	vand.u32 $0xFFFF, v3;
	v1 =	vadd.s32 v1, v7;
	v7 =	vmul.u32 $0x3E8, v12  }
0x33: {  	[tilespmem:$0x290] =	vst v1;
	v1 =	vadd.s32 v2, v8;
	v2 =	vand.u32 $0xFFFF, v4;
	v4 =	vmul.u32 $0x3E8, v61  }
0x34: {  	v8 =	vmul.u32 $0x3E8, v11;
	[tilespmem:$0x2A0] =	vst v1;
	v1 =	vadd.s32 v2, v7;
	v2 =	vand.u32 $0xFFFF, v5  }
0x35: {  	v6 =	vmul.u32 $0x3E8, v6;
	v5 =	vshra.s32 v9, $0x10;
	[tilespmem:$0x2C0] =	vst v1;
	v1 =	vadd.s32 v2, v4  }
0x36: {  	v2 =	vshra.s32 v10, $0x10;
	v3 =	vadd.s32 v3, v8;
	[tilespmem:$0x2D0] =	vst v1;
	v1 =	vmul.u32 $0x3E8, v5  }
0x37: {  	v0 =	vadd.s32 v0, v6;
	v2 =	vmul.u32 $0x3E8, v2;
	[tilespmem:$0x2B0] =	vst v3;
	v3 =	vand.u32 $0xFFFF, v9  }
0x38: {  	[tilespmem:$0x280] =	vst v0;
	v4 =	vand.u32 $0xFFFF, v10;
	v0 =	vadd.s32 v3, v1  }
0x39: {  	v1 =	vadd.s32 v4, v2;
	[tilespmem:$0x2F0] =	vst v0  }
0x3a: {  	s15 =	simm.s32 $0x280;
	s14 =	simm.s32 $0x480;
	s16 =	simm.s32 $0x3;
	[tilespmem:$0x2E0] =	vst v1  }
0x3b: {  	[tilespmem:s14], [sflag:$0x6] =	stream.indirect.gather [hbm4b:s3+s4], $0x1, s15, s4, $0xb8;
	[tilespmem:$0x600] =	vst v63  }
0x3c: {  	_ =	swait.ge [sflag:s16], $0x80  }
0x3d: {  	[sflag:s16] =	ssyncset.done $0x0  }
0x3e: {  	[sflag:s16] =	ssyncadd.s32 $0xFFFFFF80  }
0x3f: {  	v0 =	vld [tilespmem:$0x120]  }
0x40: {  	v1 =	vld [tilespmem:$0x150]  }
0x41: {  	v2 =	vld [tilespmem:$0x100]  }
0x42: {  	v3 =	vld [tilespmem:$0x130]  }
0x43: {  	v4 =	vld [tilespmem:$0x140];
	_ =	sdelay $0x1  }
0x44: {  	v5 =	vld [tilespmem:$0x110];
	v6 =	vshra.s32 v1, $0x10;
	v1 =	vand.u32 $0xFFFF, v1  }
0x45: {  	v8 =	vshra.s32 v2, $0x10;
	v2 =	vand.u32 $0xFFFF, v2;
	v9 =	vshra.s32 v0, $0x10  }
0x46: {  	v7 =	vld [tilespmem:$0x160];
	v0 =	vand.u32 $0xFFFF, v0;
	v11 =	vshra.s32 v3, $0x10;
	v9 =	vmul.u32 $0x3E8, v9  }
0x47: {  	v10 =	vld [tilespmem:$0x170];
	v62 =	vshra.s32 v4, $0x10;
	v3 =	vand.u32 $0xFFFF, v3;
	v11 =	vmul.u32 $0x3E8, v11  }
0x48: {  	v8 =	vmul.u32 $0x3E8, v8;
	v0 =	vadd.s32 v0, v9;
	v9 =	vmul.u32 $0x3E8, v62  }
0x49: {  	v63 =	vshra.s32 v5, $0x10;
	[tilespmem:$0x320] =	vst v0;
	v0 =	vadd.s32 v3, v11;
	v3 =	vand.u32 $0xFFFF, v4  }
0x4a: {  	v2 =	vadd.s32 v2, v8;
	[tilespmem:$0x330] =	vst v0;
	v0 =	vadd.s32 v3, v9;
	v3 =	vmul.u32 $0x3E8, v6  }
0x4b: {  	v4 =	vmul.u32 $0x3E8, v63;
	[tilespmem:$0x300] =	vst v2;
	v2 =	vand.u32 $0xFFFF, v5;
	v6 =	vshra.s32 v7, $0x10  }
0x4c: {  	[tilespmem:$0x340] =	vst v0;
	v0 =	vshra.s32 v10, $0x10;
	v1 =	vadd.s32 v1, v3;
	v3 =	vmul.u32 $0x3E8, v6  }
0x4d: {  	v5 =	vand.u32 $0xFFFF, v7;
	v0 =	vmul.u32 $0x3E8, v0;
	[tilespmem:$0x350] =	vst v1;
	v1 =	vadd.s32 v2, v4  }
0x4e: {  	v2 =	vand.u32 $0xFFFF, v10;
	[tilespmem:$0x310] =	vst v1;
	v1 =	vadd.s32 v5, v3  }
0x4f: {  	v0 =	vadd.s32 v2, v0;
	[tilespmem:$0x360] =	vst v1  }
0x50: {  	s30 =	simm.s32 $0x300;
	s17 =	simm.s32 $0x500;
	s31 =	simm.s32 $0x4;
	[tilespmem:$0x370] =	vst v0  }
0x51: {  	[tilespmem:s17], [sflag:$0x7] =	stream.indirect.gather [hbm4b:s3+s4], $0x1, s30, s4, $0xb8;
	[tilespmem:$0x600] =	vst v63  }
0x52: {  	_ =	swait.ge [sflag:s31], $0x80  }
0x53: {  	[sflag:s31] =	ssyncset.done $0x0  }
0x54: {  	[sflag:s31] =	ssyncadd.s32 $0xFFFFFF80  }
0x55: {  	s18 =	ssub.s32 $0x2, s18;
	v1 =	vld [tilespmem:$0x1D0]  }
0x56: {  	s21 =	sshrl.u32 s18, $0x1;
	v2 =	vld [tilespmem:$0x190]  }
0x57: {  	s24 =	ssub.s32 s18, s21;
	v5 =	vld [tilespmem:$0x1A0]  }
0x58: {  	s26 =	smax.u32 s24, $0x1;
	v4 =	vld [tilespmem:$0x1B0]  }
0x59: {  	p0 =	sne.s32 s26, $0x1  }
.Ltmp0:
0x5a: {  	_ = 	snop;
	(pc) =	sbr.rel @!p0 .LBB2_2-.Ltmp0, $4  }
0x5b: {  	s29 =	simm.s32 $0x5;
	s28 =	simm.s32 $0x7;
	s25 =	simm.s32 $0x8;
	v3 =	vld [tilespmem:$0x1C0];
	v6 =	vshra.s32 v1, $0x10  }
0x5c: {  	s21 =	sadd.s32 s0, s19;
	s20 =	sadd.s32 s0, s20;
	s19 =	sadd.s32 s0, s22;
	v0 =	vld [tilespmem:$0x180];
	v7 =	vshra.s32 v2, $0x10;
	v11 =	vand.u32 $0xFFFF, v1;
	v6 =	vmul.u32 $0x3E8, v6  }
0x5d: {  	s18 =	sadd.s32 s0, s23;
	s24 =	simm.s32 $0x380;
	s23 =	simm.s32 $0x580;
	v1 =	vld [tilespmem:$0x1E0];
	v9 =	vshra.s32 v5, $0x10;
	v8 =	vand.u32 $0xFFFF, v5;
	v10 =	vshra.s32 v4, $0x10  }
0x5e: {  	s22 =	simm.s32 $0x9;
	s0 =	sadd.s32 $0xFFFFFFFF, s26;
	s26 =	simm.s32 $0x6;
	v5 =	vld [tilespmem:$0x1F0];
	v7 =	vmul.u32 $0x3E8, v7;
	v9 =	vmul.u32 $0x3E8, v9;
	v6 =	vadd.s32 v11, v6  }
.LBB2_1:
0x5f: {  	v10 =	vmul.u32 $0x3E8, v10  }
0x60: {  	v2 =	vand.u32 $0xFFFF, v2;
	v4 =	vand.u32 $0xFFFF, v4;
	v8 =	vadd.s32 v8, v9  }
0x61: {  	[tilespmem:$0x3D0] =	vst v6;
	v2 =	vadd.s32 v2, v7;
	v4 =	vadd.s32 v4, v10;
	v11 =	vshra.s32 v3, $0x10  }
0x62: {  	[tilespmem:$0x390] =	vst v2;
	v3 =	vand.u32 $0xFFFF, v3;
	v9 =	vmul.u32 $0x3E8, v11;
	v11 =	vshra.s32 v0, $0x10  }
0x63: {  	[tilespmem:$0x3B0] =	vst v4;
	v4 =	vshra.s32 v5, $0x10;
	v2 =	vshra.s32 v1, $0x10;
	v7 =	vmul.u32 $0x3E8, v11  }
0x64: {  	[tilespmem:$0x3A0] =	vst v8;
	v4 =	vmul.u32 $0x3E8, v4;
	v0 =	vand.u32 $0xFFFF, v0;
	v3 =	vadd.s32 v3, v9  }
0x65: {  	v5 =	vand.u32 $0xFFFF, v5;
	v2 =	vmul.u32 $0x3E8, v2;
	v0 =	vadd.s32 v0, v7;
	[tilespmem:$0x3C0] =	vst v3  }
0x66: {  	v1 =	vand.u32 $0xFFFF, v1;
	v3 =	vadd.s32 v5, v4;
	[tilespmem:$0x380] =	vst v0  }
0x67: {  	v0 =	vadd.s32 v1, v2;
	[tilespmem:$0x3F0] =	vst v3  }
0x68: {  	[tilespmem:$0x3E0] =	vst v0  }
0x69: {  	[tilespmem:s23], [sflag:$0x8] =	stream.indirect.gather [hbm4b:s3+s4], $0x1, s24, s4, $0xb8;
	[tilespmem:$0x600] =	vst v63  }
0x6a: {  	_ =	swait.ge [sflag:s29], $0x80  }
0x6b: {  	[sflag:s29] =	ssyncset.done $0x0  }
0x6c: {  	[sflag:s29] =	ssyncadd.s32 $0xFFFFFF80  }
0x6d: {  	[hbm4b:s21+s2] =	stream.linear.scatter [tilespmem:s11], [sflag:$0x9], $0x80, $0x38;
	[tilespmem:$0x600] =	vst v63  }
0x6e: {  	_ =	swait.ge [sflag:s26], $0x80  }
0x6f: {  	[sflag:s26] =	ssyncset.done $0x0  }
0x70: {  	[sflag:s26] =	ssyncadd.s32 $0xFFFFFF80  }
0x71: {  	[hbm4b:s20+s2] =	stream.linear.scatter [tilespmem:s14], [sflag:$0x9], $0x80, $0x38;
	[tilespmem:$0x600] =	vst v63  }
0x72: {  	_ =	swait.ge [sflag:s28], $0x80  }
0x73: {  	[sflag:s28] =	ssyncset.done $0x0  }
0x74: {  	[sflag:s28] =	ssyncadd.s32 $0xFFFFFF80  }
0x75: {  	[hbm4b:s19+s2] =	stream.linear.scatter [tilespmem:s17], [sflag:$0x9], $0x80, $0x38;
	[tilespmem:$0x600] =	vst v63  }
0x76: {  	_ =	swait.ge [sflag:s25], $0x80  }
0x77: {  	[sflag:s25] =	ssyncset.done $0x0  }
0x78: {  	[sflag:s25] =	ssyncadd.s32 $0xFFFFFF80  }
0x79: {  	[hbm4b:s18+s2] =	stream.linear.scatter [tilespmem:s23], [sflag:$0x9], $0x80, $0x38;
	[tilespmem:$0x600] =	vst v63  }
0x7a: {  	_ =	swait.ge [sflag:s22], $0x80  }
0x7b: {  	[sflag:s22] =	ssyncset.done $0x0  }
0x7c: {  	[sflag:s22] =	ssyncadd.s32 $0xFFFFFF80  }
0x7d: {  	_ =	swait.ge [sflag:s22], $0x80  }
0x7e: {  	[sflag:s22] =	ssyncset.done $0x0  }
0x7f: {  	[sflag:s22] =	ssyncadd.s32 $0xFFFFFF80  }
0x80: {  	_ =	swait.ge [sflag:s22], $0x80  }
0x81: {  	[sflag:s22] =	ssyncset.done $0x0  }
0x82: {  	[sflag:s22] =	ssyncadd.s32 $0xFFFFFF80  }
0x83: {  	_ =	swait.ge [sflag:s22], $0x80  }
0x84: {  	[sflag:s22] =	ssyncset.done $0x0  }
0x85: {  	s1 =	rddreg [dreg:$0x4];
	[sflag:s22] =	ssyncadd.s32 $0xFFFFFF80  }
0x86: {  	[tilespmem:s2], [sflag:$0x1] =	stream.linear.gather [hbm4b:s1+s2], $0x80, $0x38;
	[tilespmem:$0x600] =	vst v63  }
0x87: {  	_ = 	snop  }
0x88: {  	[tilespmem:s4], [sflag:$0x2] =	stream.linear.gather [hbm4b:s5+s2], $0x80, $0x38;
	[tilespmem:$0x600] =	vst v63  }
0x89: {  	_ = 	snop  }
0x8a: {  	[tilespmem:s7], [sflag:$0x3] =	stream.linear.gather [hbm4b:s6+s2], $0x80, $0x38;
	[tilespmem:$0x600] =	vst v63  }
0x8b: {  	_ = 	snop  }
0x8c: {  	[tilespmem:s9], [sflag:$0x4] =	stream.linear.gather [hbm4b:s8+s2], $0x80, $0x38;
	[tilespmem:$0x600] =	vst v63  }
0x8d: {  	_ =	swait.ge [sflag:s10], $0x80  }
0x8e: {  	[sflag:s10] =	ssyncset.done $0x0  }
0x8f: {  	[sflag:s10] =	ssyncadd.s32 $0xFFFFFF80  }
0x90: {  	v0 =	vld [tilespmem:$0x70]  }
0x91: {  	v1 =	vld [tilespmem:$0x60]  }
0x92: {  	v2 =	vld [tilespmem:$0x20]  }
0x93: {  	v3 =	vld [tilespmem:$0x50]  }
0x94: {  	v5 =	vld [tilespmem:$0x10]  }
0x95: {  	v7 =	vld [tilespmem:$0x0]  }
0x96: {  	v6 =	vshra.s32 v0, $0x10;
	v8 =	vshra.s32 v1, $0x10  }
0x97: {  	v1 =	vand.u32 $0xFFFF, v1;
	v6 =	vmul.u32 $0x3E8, v6;
	v8 =	vmul.u32 $0x3E8, v8  }
0x98: {  	v4 =	vld [tilespmem:$0x30];
	v0 =	vand.u32 $0xFFFF, v0;
	v10 =	vshra.s32 v3, $0x10;
	v3 =	vand.u32 $0xFFFF, v3  }
0x99: {  	v9 =	vld [tilespmem:$0x40];
	v11 =	vshra.s32 v2, $0x10;
	v0 =	vadd.s32 v0, v6;
	v1 =	vadd.s32 v1, v8  }
0x9a: {  	v8 =	vmul.u32 $0x3E8, v10;
	v10 =	vand.u32 $0xFFFF, v7;
	[tilespmem:$0x270] =	vst v0;
	v0 =	vand.u32 $0xFFFF, v5  }
0x9b: {  	v5 =	vshra.s32 v5, $0x10;
	[tilespmem:$0x260] =	vst v1;
	v1 =	vshra.s32 v7, $0x10;
	v7 =	vmul.u32 $0x3E8, v11  }
0x9c: {  	v2 =	vand.u32 $0xFFFF, v2;
	v3 =	vadd.s32 v3, v8;
	v5 =	vmul.u32 $0x3E8, v5  }
0x9d: {  	v6 =	vshra.s32 v4, $0x10;
	v1 =	vmul.u32 $0x3E8, v1;
	[tilespmem:$0x250] =	vst v3;
	v2 =	vadd.s32 v2, v7  }
0x9e: {  	v6 =	vmul.u32 $0x3E8, v6;
	v8 =	vshra.s32 v9, $0x10;
	v0 =	vadd.s32 v0, v5;
	[tilespmem:$0x220] =	vst v2  }
0x9f: {  	v2 =	vand.u32 $0xFFFF, v4;
	v4 =	vmul.u32 $0x3E8, v8;
	v1 =	vadd.s32 v10, v1;
	[tilespmem:$0x210] =	vst v0  }
0xa0: {  	v3 =	vand.u32 $0xFFFF, v9;
	v0 =	vadd.s32 v2, v6;
	[tilespmem:$0x200] =	vst v1  }
0xa1: {  	v1 =	vadd.s32 v3, v4;
	[tilespmem:$0x230] =	vst v0  }
0xa2: {  	[tilespmem:$0x240] =	vst v1  }
0xa3: {  	[tilespmem:s11], [sflag:$0x5] =	stream.indirect.gather [hbm4b:s3+s4], $0x1, s12, s4, $0xb8;
	[tilespmem:$0x600] =	vst v63  }
0xa4: {  	_ =	swait.ge [sflag:s13], $0x80  }
0xa5: {  	[sflag:s13] =	ssyncset.done $0x0  }
0xa6: {  	[sflag:s13] =	ssyncadd.s32 $0xFFFFFF80  }
0xa7: {  	v0 =	vld [tilespmem:$0x80]  }
0xa8: {  	v1 =	vld [tilespmem:$0x90]  }
0xa9: {  	v2 =	vld [tilespmem:$0xA0]  }
0xaa: {  	v3 =	vld [tilespmem:$0xB0]  }
0xab: {  	v4 =	vld [tilespmem:$0xC0]  }
0xac: {  	v6 =	vld [tilespmem:$0xD0]  }
0xad: {  	v5 =	vshra.s32 v0, $0x10;
	v0 =	vand.u32 $0xFFFF, v0;
	v7 =	vshra.s32 v1, $0x10  }
0xae: {  	v8 =	vld [tilespmem:$0xE0];
	v9 =	vshra.s32 v2, $0x10;
	v2 =	vand.u32 $0xFFFF, v2;
	v7 =	vmul.u32 $0x3E8, v7  }
0xaf: {  	v10 =	vld [tilespmem:$0xF0];
	v1 =	vand.u32 $0xFFFF, v1;
	v11 =	vshra.s32 v3, $0x10;
	v9 =	vmul.u32 $0x3E8, v9  }
0xb0: {  	v1 =	vadd.s32 v1, v7;
	v7 =	vmul.u32 $0x3E8, v11;
	v11 =	vshra.s32 v4, $0x10  }
0xb1: {  	[tilespmem:$0x290] =	vst v1;
	v1 =	vadd.s32 v2, v9;
	v2 =	vmul.u32 $0x3E8, v11;
	v9 =	vshra.s32 v6, $0x10  }
0xb2: {  	v3 =	vand.u32 $0xFFFF, v3;
	[tilespmem:$0x2A0] =	vst v1;
	v1 =	vand.u32 $0xFFFF, v4;
	v4 =	vmul.u32 $0x3E8, v9  }
0xb3: {  	v5 =	vmul.u32 $0x3E8, v5;
	v1 =	vadd.s32 v1, v2;
	v2 =	vand.u32 $0xFFFF, v6  }
0xb4: {  	v9 =	vshra.s32 v8, $0x10;
	v6 =	vshra.s32 v10, $0x10;
	[tilespmem:$0x2C0] =	vst v1;
	v1 =	vadd.s32 v2, v4  }
0xb5: {  	v3 =	vadd.s32 v3, v7;
	v4 =	vmul.u32 $0x3E8, v6;
	[tilespmem:$0x2D0] =	vst v1;
	v1 =	vmul.u32 $0x3E8, v9  }
0xb6: {  	v0 =	vadd.s32 v0, v5;
	[tilespmem:$0x2B0] =	vst v3;
	v3 =	vand.u32 $0xFFFF, v10;
	v2 =	vand.u32 $0xFFFF, v8  }
0xb7: {  	[tilespmem:$0x280] =	vst v0;
	v0 =	vadd.s32 v2, v1;
	v1 =	vadd.s32 v3, v4  }
0xb8: {  	[tilespmem:$0x2F0] =	vst v1  }
0xb9: {  	[tilespmem:$0x2E0] =	vst v0  }
0xba: {  	[tilespmem:s14], [sflag:$0x6] =	stream.indirect.gather [hbm4b:s3+s4], $0x1, s15, s4, $0xb8;
	[tilespmem:$0x600] =	vst v63  }
0xbb: {  	_ =	swait.ge [sflag:s16], $0x80  }
0xbc: {  	[sflag:s16] =	ssyncset.done $0x0  }
0xbd: {  	[sflag:s16] =	ssyncadd.s32 $0xFFFFFF80  }
0xbe: {  	v0 =	vld [tilespmem:$0x120]  }
0xbf: {  	v1 =	vld [tilespmem:$0x150]  }
0xc0: {  	v2 =	vld [tilespmem:$0x100]  }
0xc1: {  	v3 =	vld [tilespmem:$0x130]  }
0xc2: {  	v4 =	vld [tilespmem:$0x140];
	_ =	sdelay $0x2  }
0xc3: {  	v6 =	vshra.s32 v1, $0x10;
	v9 =	vshra.s32 v0, $0x10  }
0xc4: {  	v5 =	vld [tilespmem:$0x110];
	v8 =	vshra.s32 v2, $0x10;
	v11 =	vshra.s32 v3, $0x10;
	v9 =	vmul.u32 $0x3E8, v9  }
0xc5: {  	v7 =	vld [tilespmem:$0x160];
	v0 =	vand.u32 $0xFFFF, v0;
	v12 =	vshra.s32 v4, $0x10;
	v11 =	vmul.u32 $0x3E8, v11  }
0xc6: {  	v10 =	vld [tilespmem:$0x170];
	v3 =	vand.u32 $0xFFFF, v3;
	v0 =	vadd.s32 v0, v9;
	v9 =	vmul.u32 $0x3E8, v12  }
0xc7: {  	v8 =	vmul.u32 $0x3E8, v8;
	[tilespmem:$0x320] =	vst v0;
	v0 =	vadd.s32 v3, v11;
	v3 =	vand.u32 $0xFFFF, v4  }
0xc8: {  	v2 =	vand.u32 $0xFFFF, v2;
	[tilespmem:$0x330] =	vst v0;
	v0 =	vadd.s32 v3, v9;
	v3 =	vmul.u32 $0x3E8, v6  }
0xc9: {  	v1 =	vand.u32 $0xFFFF, v1;
	v63 =	vshra.s32 v5, $0x10;
	v2 =	vadd.s32 v2, v8  }
0xca: {  	[tilespmem:$0x300] =	vst v2;
	v2 =	vmul.u32 $0x3E8, v63;
	v1 =	vadd.s32 v1, v3;
	v3 =	vshra.s32 v7, $0x10  }
0xcb: {  	v5 =	vand.u32 $0xFFFF, v5;
	v6 =	vshra.s32 v10, $0x10;
	[tilespmem:$0x350] =	vst v1;
	v1 =	vmul.u32 $0x3E8, v3  }
0xcc: {  	[tilespmem:$0x340] =	vst v0;
	v0 =	vand.u32 $0xFFFF, v7;
	v2 =	vadd.s32 v5, v2;
	v3 =	vmul.u32 $0x3E8, v6  }
0xcd: {  	v4 =	vand.u32 $0xFFFF, v10;
	[tilespmem:$0x310] =	vst v2;
	v0 =	vadd.s32 v0, v1  }
0xce: {  	v1 =	vadd.s32 v4, v3;
	[tilespmem:$0x360] =	vst v0  }
0xcf: {  	[tilespmem:$0x370] =	vst v1  }
0xd0: {  	[tilespmem:s17], [sflag:$0x7] =	stream.indirect.gather [hbm4b:s3+s4], $0x1, s30, s4, $0xb8;
	[tilespmem:$0x600] =	vst v63  }
0xd1: {  	_ =	swait.ge [sflag:s31], $0x80  }
0xd2: {  	[sflag:s31] =	ssyncset.done $0x0  }
0xd3: {  	[sflag:s31] =	ssyncadd.s32 $0xFFFFFF80  }
0xd4: {  	v1 =	vld [tilespmem:$0x1D0]  }
0xd5: {  	v2 =	vld [tilespmem:$0x190]  }
0xd6: {  	v5 =	vld [tilespmem:$0x1A0]  }
0xd7: {  	v4 =	vld [tilespmem:$0x1B0]  }
0xd8: {  	p0 =	sne.s32 s0, $0x1  }
.Ltmp1:
0xd9: {  	_ = 	snop;
	(pc) =	sbr.rel @p0 .LBB2_1-.Ltmp1, $4  }
0xda: {  	v3 =	vld [tilespmem:$0x1C0];
	v6 =	vshra.s32 v1, $0x10  }
0xdb: {  	v0 =	vld [tilespmem:$0x180];
	v7 =	vshra.s32 v2, $0x10;
	v11 =	vand.u32 $0xFFFF, v1;
	v6 =	vmul.u32 $0x3E8, v6  }
0xdc: {  	v1 =	vld [tilespmem:$0x1E0];
	v9 =	vshra.s32 v5, $0x10;
	v8 =	vand.u32 $0xFFFF, v5;
	v10 =	vshra.s32 v4, $0x10  }
0xdd: {  	s0 =	sadd.s32 $0xFFFFFFFF, s0;
	v5 =	vld [tilespmem:$0x1F0];
	v7 =	vmul.u32 $0x3E8, v7;
	v9 =	vmul.u32 $0x3E8, v9;
	v6 =	vadd.s32 v11, v6  }
.LBB2_2:
0xde: {  	v10 =	vmul.u32 $0x3E8, v10  }
0xdf: {  	v4 =	vand.u32 $0xFFFF, v4;
	v2 =	vand.u32 $0xFFFF, v2;
	v11 =	vshra.s32 v3, $0x10  }
0xe0: {  	[tilespmem:$0x3D0] =	vst v6;
	v8 =	vadd.s32 v8, v9;
	v55 =	vand.u32 $0xFFFF, v3;
	v2 =	vadd.s32 v2, v7  }
0xe1: {  	v53 =	vmul.u32 $0x3E8, v11;
	[tilespmem:$0x3A0] =	vst v8;
	v4 =	vadd.s32 v4, v10;
	v54 =	vshra.s32 v0, $0x10  }
0xe2: {  	[tilespmem:$0x390] =	vst v2;
	v59 =	vand.u32 $0xFFFF, v0;
	v57 =	vmul.u32 $0x3E8, v54;
	v58 =	vshra.s32 v1, $0x10  }
0xe3: {  	[tilespmem:$0x3B0] =	vst v4;
	v3 =	vadd.s32 v55, v53;
	v56 =	vshra.s32 v5, $0x10;
	v2 =	vmul.u32 $0x3E8, v58  }
0xe4: {  	v61 =	vand.u32 $0xFFFF, v1;
	v4 =	vmul.u32 $0x3E8, v56;
	v0 =	vadd.s32 v59, v57;
	[tilespmem:$0x3C0] =	vst v3  }
0xe5: {  	v60 =	vand.u32 $0xFFFF, v5;
	[tilespmem:$0x380] =	vst v0;
	v63 =	vadd.s32 v61, v2  }
0xe6: {  	v62 =	vadd.s32 v60, v4;
	[tilespmem:$0x3E0] =	vst v63  }
0xe7: {  	[tilespmem:$0x3F0] =	vst v62  }
0xe8: {  	[tilespmem:s23], [sflag:$0x8] =	stream.indirect.gather [hbm4b:s3+s4], $0x1, s24, s4, $0xb8;
	[tilespmem:$0x600] =	vst v63  }
0xe9: {  	_ =	swait.ge [sflag:s29], $0x80  }
0xea: {  	[sflag:s29] =	ssyncset.done $0x0  }
0xeb: {  	[sflag:s29] =	ssyncadd.s32 $0xFFFFFF80  }
0xec: {  	[hbm4b:s21+s2] =	stream.linear.scatter [tilespmem:s11], [sflag:$0x9], $0x80, $0x38;
	[tilespmem:$0x600] =	vst v63  }
0xed: {  	_ =	swait.ge [sflag:s26], $0x80  }
0xee: {  	[sflag:s26] =	ssyncset.done $0x0  }
0xef: {  	[sflag:s26] =	ssyncadd.s32 $0xFFFFFF80  }
0xf0: {  	[hbm4b:s20+s2] =	stream.linear.scatter [tilespmem:s14], [sflag:$0x9], $0x80, $0x38;
	[tilespmem:$0x600] =	vst v63  }
0xf1: {  	_ =	swait.ge [sflag:s28], $0x80  }
0xf2: {  	[sflag:s28] =	ssyncset.done $0x0  }
0xf3: {  	[sflag:s28] =	ssyncadd.s32 $0xFFFFFF80  }
0xf4: {  	[hbm4b:s19+s2] =	stream.linear.scatter [tilespmem:s17], [sflag:$0x9], $0x80, $0x38;
	[tilespmem:$0x600] =	vst v63  }
0xf5: {  	_ =	swait.ge [sflag:s25], $0x80  }
0xf6: {  	[sflag:s25] =	ssyncset.done $0x0  }
0xf7: {  	[sflag:s25] =	ssyncadd.s32 $0xFFFFFF80  }
0xf8: {  	[hbm4b:s18+s2] =	stream.linear.scatter [tilespmem:s23], [sflag:$0x9], $0x80, $0x38;
	[tilespmem:$0x600] =	vst v63  }
0xf9: {  	_ =	swait.ge [sflag:s22], $0x80  }
0xfa: {  	[sflag:s22] =	ssyncset.done $0x0  }
0xfb: {  	[sflag:s22] =	ssyncadd.s32 $0xFFFFFF80  }
0xfc: {  	_ =	swait.ge [sflag:s22], $0x80  }
0xfd: {  	[sflag:s22] =	ssyncset.done $0x0  }
0xfe: {  	[sflag:s22] =	ssyncadd.s32 $0xFFFFFF80  }
0xff: {  	_ =	swait.ge [sflag:s22], $0x80  }
0x100: {  	[sflag:s22] =	ssyncset.done $0x0  }
0x101: {  	[sflag:s22] =	ssyncadd.s32 $0xFFFFFF80  }
0x102: {  	_ =	swait.ge [sflag:s22], $0x80  }
0x103: {  	[sflag:s22] =	ssyncset.done $0x0  }
0x104: {  	[sflag:s22] =	ssyncadd.s32 $0xFFFFFF80  }
0x105: {  	_ =	sfence.sel $0x180000  }
0x106: {  	[bflag:$0x0] =	sbarrier.arrive $0xFFFF  }
0x107: {  	_ =	strace $0x90000047  }
0x108: {  	s0 =	stileid.u32;
	[bflag:$0x2] =	sbarrier.arrive $0xFFFF  }
0x109: {  	p0 =	sne.s32 s0, $0x0;
	s0 =	rddreg [dreg:$0x3]  }
0x10a: {  	s0 =	sadd.s32 @!p0 $0x100000, s0  }
0x10b: {  	[sflag:s0] =	ssyncadd.tile.s32 @!p0 $0x1;
	_ =	shalt  }
.Lfunc_end2:
_tile_overlayer_lowered:
.L_overlay_start_2:
0x10c: {  	(tag) =	ssettag $0x2  }
0x10d: {  	s0 =	rddreg [dreg:$0x0];
	s2 =	stileid.u32  }
0x10e: {  	s1 =	rddreg [dreg:$0x1];
	p0 =	sne.s32 s2, $0x0  }
0x10f: {  	s3 =	rddreg [dreg:$0x2];
	[bflag:$0x3] =	sbarrier.arrive $0xFFFF;
	s2 =	simm.s32 @!p0 $0x1C0A  }
0x110: {  	[timem:s3], [sflag:s2] =	dma.local @!p0 [hbm:s0], s1  }
0x111: {  	s0 =	simm.s32 @!p0 $0xA  }
0x112: {  	_ =	swait.ge @!p0 [sflag:s0], s1  }
0x113: {  	s1 =	ssub.s32 @!p0 $0x0, s1;
	[sflag:s0] =	ssyncset.done @!p0 $0x0  }
0x114: {  	[sflag:s0] =	ssyncadd.s32 @!p0 s1  }
0x115: {  	[bflag:$0x3] =	sbarrier.arrive $0xFFFF  }
0x116: {  	_ =	shalt  }

</sc_bundles>
